<compile_context>
chip_gen: v7x
topology: tpu7x:2x2x1
jax: 0.10.2.dev20260603
libtpu: 0.0.44.dev20260713+nightly
codegen_flags: <defaults>
</compile_context>

<pallas_src>
import functools

import jax
import jax.numpy as jnp
from jax import lax
from jax.experimental import pallas as pl
from jax.experimental.pallas import tpu as pltpu
from jax.experimental.pallas import tpu_sc as plsc

N = 10000
D = 128
E = 320000
OUT = 2

NC = 2
NS = 16
NW = NC * NS
EPW = E // NW
CH = 128
PAD = 240
NCH = (EPW + PAD) // CH
IH = 64
JUNK = 64
NACC = N + JUNK

SLAB = 624

BLK = 2000
GRID = N // BLK


def _sc_mesh():
    return plsc.VectorSubcoreMesh(core_axis_name="c", subcore_axis_name="s")


DROWS = E // CH
DIB = 26


def _deg_body(edges_hbm, zeros_hbm, out_hbm, idx_v, ones_v, acc_s):
    cid = lax.axis_index("c")
    sid = lax.axis_index("s")
    wid = cid * NS + sid
    for j in range(CH // 16):
        ones_v[pl.ds(j * 16, 16)] = jnp.ones((16,), jnp.float32)

    @pl.when(sid == 0)
    def _():
        pltpu.sync_copy(zeros_hbm, acc_s)

    plsc.subcore_barrier()

    start = 78 * wid + jnp.minimum(wid, 4)
    count = 78 + jnp.where(wid < 4, 1, 0)

    def inner(j, carry):
        pltpu.sync_copy(ones_v, acc_s.at[idx_v.at[j, 1]], add=True)
        return carry

    for r0 in range(0, 79, DIB):
        nrows = jnp.clip(count - r0, 0, DIB)

        @pl.when(nrows > 0)
        def _():
            pltpu.sync_copy(edges_hbm.at[pl.ds(start + r0, DIB)], idx_v)
            lax.fori_loop(0, nrows, inner, 0)

    plsc.subcore_barrier()

    @pl.when(sid == 0)
    def _():
        pltpu.sync_copy(acc_s, out_hbm.at[cid])


_deg_kernel = functools.partial(
    pl.kernel,
    mesh=_sc_mesh(),
    out_type=jax.ShapeDtypeStruct((NC, NACC), jnp.float32),
    scratch_types=[
        pltpu.VMEM((DIB, 2, CH), jnp.int32),
        pltpu.VMEM((CH,), jnp.float32),
        pltpu.VMEM_SHARED((NACC,), jnp.float32),
    ],
)(_deg_body)


def _agg_body(src_hbm, dst_hbm, g_hbm, zeros_hbm, out_hbm,
              sidx_v, didx_v, rows_a, rows_b, acc_s, sem_a, sem_b):
    cid = lax.axis_index("c")
    sid = lax.axis_index("s")
    wid = cid * NS + sid
    tail = N - NS * SLAB

    @pl.when(cid == 0)
    def _():
        pltpu.sync_copy(g_hbm.at[pl.ds(sid * SLAB, SLAB)],
                        acc_s.at[pl.ds(sid * SLAB, SLAB)])

        @pl.when(sid == NS - 1)
        def _():
            pltpu.sync_copy(g_hbm.at[pl.ds(NS * SLAB, tail)],
                            acc_s.at[pl.ds(NS * SLAB, tail)])
            pltpu.sync_copy(zeros_hbm.at[pl.ds(0, JUNK)],
                            acc_s.at[pl.ds(N, JUNK)])

    @pl.when(cid == 1)
    def _():
        pltpu.sync_copy(zeros_hbm,
                        acc_s.at[pl.ds(sid * SLAB, SLAB)])

        @pl.when(sid == NS - 1)
        def _():
            pltpu.sync_copy(zeros_hbm.at[pl.ds(0, tail + JUNK)],
                            acc_s.at[pl.ds(NS * SLAB, tail + JUNK)])

    plsc.subcore_barrier()

    def gather(j, buf, sem):
        pltpu.async_copy(g_hbm.at[sidx_v.at[j]], buf, sem)

    def wait_gather(buf, sem):
        pltpu.make_async_copy(g_hbm.at[sidx_v.at[0]], buf, sem).wait()

    def run_block(nrows):
        gather(0, rows_a, sem_a)
        gather(1, rows_b, sem_b)

        def body(k, carry):
            j0 = 2 * k
            j1 = j0 + 1
            wait_gather(rows_a, sem_a)
            pltpu.sync_copy(rows_a, acc_s.at[didx_v.at[j0]], add=True)

            @pl.when(j0 + 2 < nrows)
            def _():
                gather(j0 + 2, rows_a, sem_a)

            wait_gather(rows_b, sem_b)
            pltpu.sync_copy(rows_b, acc_s.at[didx_v.at[j1]], add=True)

            @pl.when(j1 + 2 < nrows)
            def _():
                gather(j1 + 2, rows_b, sem_b)

            return carry

        lax.fori_loop(0, nrows // 2, body, 0)

    for r0, nrows in ((0, IH), (IH, NCH - IH)):
        pltpu.sync_copy(src_hbm.at[wid, pl.ds(r0, nrows)],
                        sidx_v.at[pl.ds(0, nrows)])
        pltpu.sync_copy(dst_hbm.at[wid, pl.ds(r0, nrows)],
                        didx_v.at[pl.ds(0, nrows)])
        run_block(nrows)

    plsc.subcore_barrier()

    pltpu.sync_copy(acc_s.at[pl.ds(sid * SLAB, SLAB)],
                    out_hbm.at[cid, pl.ds(sid * SLAB, SLAB)])

    @pl.when(sid == NS - 1)
    def _():
        pltpu.sync_copy(acc_s.at[pl.ds(NS * SLAB, tail)],
                        out_hbm.at[cid, pl.ds(NS * SLAB, tail)])


_agg_kernel = functools.partial(
    pl.kernel,
    mesh=_sc_mesh(),
    out_type=jax.ShapeDtypeStruct((NC, N, D), jnp.float32),
    compiler_params=pltpu.CompilerParams(use_tc_tiling_on_sc=True),
    scratch_types=[
        pltpu.VMEM((IH, CH), jnp.int32),
        pltpu.VMEM((IH, CH), jnp.int32),
        pltpu.VMEM((CH, D), jnp.float32),
        pltpu.VMEM((CH, D), jnp.float32),
        pltpu.VMEM_SHARED((NACC, D), jnp.float32),
        pltpu.SemaphoreType.DMA,
        pltpu.SemaphoreType.DMA,
    ],
)(_agg_body)


def _mmh_body(x_ref, w1_ref, h_ref):
    h_ref[...] = jnp.dot(x_ref[...], w1_ref[...],
                         preferred_element_type=jnp.float32)


def _mmh(x, W1):
    return pl.pallas_call(
        _mmh_body,
        grid=(GRID,),
        in_specs=[
            pl.BlockSpec((BLK, D), lambda i: (i, 0)),
            pl.BlockSpec((D, D), lambda i: (0, 0)),
        ],
        out_specs=pl.BlockSpec((BLK, D), lambda i: (i, 0)),
        out_shape=jax.ShapeDtypeStruct((N, D), jnp.float32),
    )(x, W1)


def _scale_body(h_ref, d0_ref, d1_ref, g_ref, dinv_ref):
    deg = d0_ref[0] + d1_ref[0] + 1.0
    dinv_row = lax.rsqrt(deg)
    dinv_col = jnp.reshape(dinv_row, (BLK, 1))
    g_ref[...] = h_ref[...] * dinv_col
    dinv_ref[0] = dinv_row


def _scale(h, d0, d1):
    return pl.pallas_call(
        _scale_body,
        grid=(GRID,),
        in_specs=[
            pl.BlockSpec((BLK, D), lambda i: (i, 0)),
            pl.BlockSpec((1, 1, BLK), lambda i: (i, 0, 0)),
            pl.BlockSpec((1, 1, BLK), lambda i: (i, 0, 0)),
        ],
        out_specs=[
            pl.BlockSpec((BLK, D), lambda i: (i, 0)),
            pl.BlockSpec((1, 1, BLK), lambda i: (i, 0, 0)),
        ],
        out_shape=[
            jax.ShapeDtypeStruct((N, D), jnp.float32),
            jax.ShapeDtypeStruct((GRID, 1, BLK), jnp.float32),
        ],
    )(h, d0, d1)


def _mlp_body(p0_ref, p1_ref, dinv_ref, b1_ref, w2_ref, b2_ref,
              w3_ref, b3_ref, wl_ref, bl_ref, out_ref):
    dinv_col = jnp.reshape(dinv_ref[0], (BLK, 1))
    conv = (p0_ref[0] + p1_ref[0]) * dinv_col + b1_ref[...]
    h = jnp.maximum(conv, 0.0)
    h = jnp.dot(h, w2_ref[...], preferred_element_type=jnp.float32) + b2_ref[...]
    h = jnp.maximum(h, 0.0)
    h = jnp.dot(h, w3_ref[...], preferred_element_type=jnp.float32) + b3_ref[...]
    h = jnp.maximum(h, 0.0)
    out_ref[0] = (
        lax.dot_general(wl_ref[...], h, (((0,), (1,)), ((), ())),
                        preferred_element_type=jnp.float32)
        + bl_ref[...]
    )


def _mlp(parts, dinv, b1, W2, b2, W3, b3, Wl, bl):
    return pl.pallas_call(
        _mlp_body,
        grid=(GRID,),
        in_specs=[
            pl.BlockSpec((1, BLK, D), lambda i: (0, i, 0)),
            pl.BlockSpec((1, BLK, D), lambda i: (1, i, 0)),
            pl.BlockSpec((1, 1, BLK), lambda i: (i, 0, 0)),
            pl.BlockSpec((1, D), lambda i: (0, 0)),
            pl.BlockSpec((D, D), lambda i: (0, 0)),
            pl.BlockSpec((1, D), lambda i: (0, 0)),
            pl.BlockSpec((D, D), lambda i: (0, 0)),
            pl.BlockSpec((1, D), lambda i: (0, 0)),
            pl.BlockSpec((D, OUT), lambda i: (0, 0)),
            pl.BlockSpec((OUT, 1), lambda i: (0, 0)),
        ],
        out_specs=pl.BlockSpec((1, OUT, BLK), lambda i: (i, 0, 0)),
        out_shape=jax.ShapeDtypeStruct((GRID, OUT, BLK), jnp.float32),
    )(parts, parts, dinv, b1, W2, b2, W3, b3, Wl, bl)


def kernel(x, edge_index, W1, b1, W2, b2, W3, b3, Wl, bl):
    ei = edge_index.astype(jnp.int32)
    padi = jnp.arange(PAD, dtype=jnp.int32) % JUNK
    src_pad = jnp.broadcast_to(padi, (NW, PAD))
    dst_pad = jnp.broadcast_to(N + padi, (NW, PAD))
    src3 = jnp.concatenate(
        [ei[0].reshape(NW, EPW), src_pad], axis=1).reshape(NW, NCH, CH)
    dst3 = jnp.concatenate(
        [ei[1].reshape(NW, EPW), dst_pad], axis=1).reshape(NW, NCH, CH)
    zeros1 = jnp.zeros((NACC,), jnp.float32)
    zeros2 = jnp.zeros((SLAB, D), jnp.float32)

    eidx3 = ei.reshape(2, DROWS, CH).transpose(1, 0, 2)

    h = _mmh(x, W1)
    degp = _deg_kernel(eidx3, zeros1)
    d0 = degp[0, :N].reshape(GRID, 1, BLK)
    d1 = degp[1, :N].reshape(GRID, 1, BLK)

    g, dinv = _scale(h, d0, d1)

    parts = _agg_kernel(src3, dst3, g, zeros2)

    logits_t = _mlp(parts, dinv,
                    b1.reshape(1, D), W2, b2.reshape(1, D),
                    W3, b3.reshape(1, D), Wl, bl.reshape(OUT, 1))
    return logits_t.transpose(0, 2, 1).reshape(N, OUT)

# --- scband reference (transcript-rebuilt; emitter-appended) ---
"""Pipeline reference for scband-gcn-7842610282622 (READ-ONLY COPY).

The authoritative reference and input builder live on the scoring server;
editing this copy changes nothing except your own understanding.
"""

import jax, jax.numpy as jnp
import numpy as np

N_NODES = 10000
N_EDGES = 320000
D_FEAT = 128
HIDDEN = 128
OUT = 2


def setup_inputs(seed: int = 0) -> dict:
    key = jax.random.key(seed)
    ks = jax.random.split(key, 12)
    x = jax.random.normal(ks[0], (N_NODES, D_FEAT), dtype=jnp.float32)
    edge_index = jax.random.randint(ks[1], (2, N_EDGES), 0, N_NODES, dtype=jnp.int64)
    s = 1.0 / np.sqrt(HIDDEN)
    W1 = jax.random.uniform(ks[2], (D_FEAT, HIDDEN), jnp.float32, -s, s)
    b1 = jax.random.uniform(ks[3], (HIDDEN,), jnp.float32, -s, s)
    W2 = jax.random.uniform(ks[4], (HIDDEN, HIDDEN), jnp.float32, -s, s)
    b2 = jax.random.uniform(ks[5], (HIDDEN,), jnp.float32, -s, s)
    W3 = jax.random.uniform(ks[6], (HIDDEN, HIDDEN), jnp.float32, -s, s)
    b3 = jax.random.uniform(ks[7], (HIDDEN,), jnp.float32, -s, s)
    Wl = jax.random.uniform(ks[8], (HIDDEN, OUT), jnp.float32, -s, s)
    bl = jax.random.uniform(ks[9], (OUT,), jnp.float32, -s, s)
    return {"x": x, "edge_index": edge_index, "W1": W1, "b1": b1, "W2": W2, "b2": b2, "W3": W3, "b3": b3, "Wl": Wl, "bl": bl}


def gcn_conv(x, edge_index, W, b):
    # GCNConv: add self-loops, symmetric degree normalization, scatter-add aggregation
    n = x.shape[0]
    loop = jnp.arange(n, dtype=edge_index.dtype)
    src = jnp.concatenate([edge_index[0], loop])
    dst = jnp.concatenate([edge_index[1], loop])
    deg = jnp.zeros((n,), dtype=jnp.float32).at[dst].add(1.0)
    dinv = jnp.where(deg > 0, deg ** -0.5, 0.0)
    norm = dinv[src] * dinv[dst]
    h = x @ W
    msg = jnp.take(h, src, axis=0) * norm[:, None]
    out = jnp.zeros_like(h).at[dst].add(msg)
    return out + b


def reference(x, edge_index, W1, b1, W2, b2, W3, b3, Wl, bl):
    h = gcn_conv(x, edge_index, W1, b1)
    h = jax.nn.relu(h)
    h = jax.nn.relu(h @ W2 + b2)
    h = jax.nn.relu(h @ W3 + b3)
    # dropout is identity in eval mode (training=False)
    logits = h @ Wl + bl
    return logits

if __name__ == "__main__":
    import jax
    _d = setup_inputs()
    print(jax.jit(kernel)(*tuple(_d.values())))

</pallas_src>

<mosaic_0001>
#map = affine_map<(d0, d1) -> (0, 0, 0)>
#map1 = affine_map<(d0, d1) -> (0, 0)>
module attributes {stable_mosaic.version = 14 : i64} {
  func.func @_agg_body(%arg0: i32, %arg1: i32, %arg2: memref<32x80x128xi32, #tpu.memory_space<hbm>>, %arg3: memref<32x80x128xi32, #tpu.memory_space<hbm>>, %arg4: memref<10000x128xf32, #tpu.memory_space<hbm>>, %arg5: memref<624x128xf32, #tpu.memory_space<hbm>>, %arg6: memref<2x10000x128xf32, #tpu.memory_space<hbm>>, %arg7: memref<64x128xi32, #tpu.memory_space<vmem>>, %arg8: memref<64x128xi32, #tpu.memory_space<vmem>>, %arg9: memref<128x128xf32, #tpu.memory_space<vmem>>, %arg10: memref<128x128xf32, #tpu.memory_space<vmem>>, %arg11: memref<10064x128xf32, #tpu.memory_space<vmem_shared>>, %arg12: memref<!tpu.dma_semaphore, #tpu.memory_space<semaphore_mem>>, %arg13: memref<!tpu.dma_semaphore, #tpu.memory_space<semaphore_mem>>) attributes {dimension_semantics = [#tpu.dimension_semantics<core_parallel>, #tpu.dimension_semantics<subcore_parallel>], iteration_bounds = array<i64: 2, 16>, scalar_prefetch = 0 : i64, scratch_operands = 7 : i64, tpu.core_type = #tpu.core_type<sc_vector_subcore>, window_params = [{transform_indices = #map}, {transform_indices = #map}, {transform_indices = #map1}, {transform_indices = #map1}, {transform_indices = #map}]} {
    %mul3A = arith.constant 16 : i32
    %mul3A_0 = arith.muli %arg0, %mul3A : i32
    %add3A = arith.addi %mul3A_0, %arg1 : i32
    %eq3A = arith.constant 0 : i32
    %eq3A_1 = arith.cmpi eq, %arg0, %eq3A : i32
    %convert_element_type3A = arith.extui %eq3A_1 : i1 to i32
    %cond3A = arith.constant 0 : i32
    %cond3A_2 = arith.cmpi ne, %convert_element_type3A, %cond3A : i32
    scf.if %cond3A_2 {
      %mul3A_56 = arith.constant 624 : i32
      %mul3A_57 = arith.muli %arg1, %mul3A_56 : i32
      %mul3A_58 = arith.constant 624 : i32
      %mul3A_59 = arith.muli %arg1, %mul3A_58 : i32
      "tpu.region"() ({
        %run_scoped3A = tpu.sem_alloc : memref<!tpu.dma_semaphore, #tpu.memory_space<semaphore_mem>>
        %dma_start3A_65 = arith.constant 0 : i32
        %dma_start3A_66 = tpu.memref_slice %arg11[%mul3A_59, %dma_start3A_65] : memref<10064x128xf32, #tpu.memory_space<vmem_shared>> -> memref<624x128xf32, #tpu.memory_space<vmem_shared>>
        %dma_start3A_67 = arith.constant 0 : i32
        %dma_start3A_68 = tpu.memref_slice %arg4[%mul3A_57, %dma_start3A_67] : memref<10000x128xf32, #tpu.memory_space<hbm>> -> memref<624x128xf32, #tpu.memory_space<hbm>>
        tpu.enqueue_dma source(%dma_start3A_68 : memref<624x128xf32, #tpu.memory_space<hbm>>) target(%dma_start3A_66 : memref<624x128xf32, #tpu.memory_space<vmem_shared>>) target_semaphore(%run_scoped3A : memref<!tpu.dma_semaphore, #tpu.memory_space<semaphore_mem>>)
        %dma_wait3A = arith.constant 0 : i32
        %dma_wait3A_69 = tpu.memref_slice %arg11[%mul3A_59, %dma_wait3A] : memref<10064x128xf32, #tpu.memory_space<vmem_shared>> -> memref<624x128xf32, #tpu.memory_space<vmem_shared>>
        %dma_wait3A_70 = arith.constant 0 : i32
        %dma_wait3A_71 = tpu.memref_slice %arg4[%mul3A_57, %dma_wait3A_70] : memref<10000x128xf32, #tpu.memory_space<hbm>> -> memref<624x128xf32, #tpu.memory_space<hbm>>
        tpu.wait_dma2 semaphore(%run_scoped3A : memref<!tpu.dma_semaphore, #tpu.memory_space<semaphore_mem>>) src(%dma_wait3A_71 : memref<624x128xf32, #tpu.memory_space<hbm>>) dst(%dma_wait3A_69 : memref<624x128xf32, #tpu.memory_space<vmem_shared>>)
        tpu.yield
      }) : () -> ()
      %eq3A_60 = arith.constant 15 : i32
      %eq3A_61 = arith.cmpi eq, %arg1, %eq3A_60 : i32
      %convert_element_type3A_62 = arith.extui %eq3A_61 : i1 to i32
      %cond3A_63 = arith.constant 0 : i32
      %cond3A_64 = arith.cmpi ne, %convert_element_type3A_62, %cond3A_63 : i32
      scf.if %cond3A_64 {
        "tpu.region"() ({
          %run_scoped3A = tpu.sem_alloc : memref<!tpu.dma_semaphore, #tpu.memory_space<semaphore_mem>>
          %dma_start3A_65 = arith.constant 9984 : i32
          %dma_start3A_66 = arith.constant 0 : i32
          %dma_start3A_67 = tpu.memref_slice %arg11[%dma_start3A_65, %dma_start3A_66] : memref<10064x128xf32, #tpu.memory_space<vmem_shared>> -> memref<16x128xf32, #tpu.memory_space<vmem_shared>>
          %dma_start3A_68 = arith.constant 9984 : i32
          %dma_start3A_69 = arith.constant 0 : i32
          %dma_start3A_70 = tpu.memref_slice %arg4[%dma_start3A_68, %dma_start3A_69] : memref<10000x128xf32, #tpu.memory_space<hbm>> -> memref<16x128xf32, #tpu.memory_space<hbm>>
          tpu.enqueue_dma source(%dma_start3A_70 : memref<16x128xf32, #tpu.memory_space<hbm>>) target(%dma_start3A_67 : memref<16x128xf32, #tpu.memory_space<vmem_shared>>) target_semaphore(%run_scoped3A : memref<!tpu.dma_semaphore, #tpu.memory_space<semaphore_mem>>)
          %dma_wait3A = arith.constant 9984 : i32
          %dma_wait3A_71 = arith.constant 0 : i32
          %dma_wait3A_72 = tpu.memref_slice %arg11[%dma_wait3A, %dma_wait3A_71] : memref<10064x128xf32, #tpu.memory_space<vmem_shared>> -> memref<16x128xf32, #tpu.memory_space<vmem_shared>>
          %dma_wait3A_73 = arith.constant 9984 : i32
          %dma_wait3A_74 = arith.constant 0 : i32
          %dma_wait3A_75 = tpu.memref_slice %arg4[%dma_wait3A_73, %dma_wait3A_74] : memref<10000x128xf32, #tpu.memory_space<hbm>> -> memref<16x128xf32, #tpu.memory_space<hbm>>
          tpu.wait_dma2 semaphore(%run_scoped3A : memref<!tpu.dma_semaphore, #tpu.memory_space<semaphore_mem>>) src(%dma_wait3A_75 : memref<16x128xf32, #tpu.memory_space<hbm>>) dst(%dma_wait3A_72 : memref<16x128xf32, #tpu.memory_space<vmem_shared>>)
          tpu.yield
        }) : () -> ()
        "tpu.region"() ({
          %run_scoped3A = tpu.sem_alloc : memref<!tpu.dma_semaphore, #tpu.memory_space<semaphore_mem>>
          %dma_start3A_65 = arith.constant 10000 : i32
          %dma_start3A_66 = arith.constant 0 : i32
          %dma_start3A_67 = tpu.memref_slice %arg11[%dma_start3A_65, %dma_start3A_66] : memref<10064x128xf32, #tpu.memory_space<vmem_shared>> -> memref<64x128xf32, #tpu.memory_space<vmem_shared>>
          %dma_start3A_68 = arith.constant 0 : i32
          %dma_start3A_69 = arith.constant 0 : i32
          %dma_start3A_70 = tpu.memref_slice %arg5[%dma_start3A_68, %dma_start3A_69] : memref<624x128xf32, #tpu.memory_space<hbm>> -> memref<64x128xf32, #tpu.memory_space<hbm>>
          tpu.enqueue_dma source(%dma_start3A_70 : memref<64x128xf32, #tpu.memory_space<hbm>>) target(%dma_start3A_67 : memref<64x128xf32, #tpu.memory_space<vmem_shared>>) target_semaphore(%run_scoped3A : memref<!tpu.dma_semaphore, #tpu.memory_space<semaphore_mem>>)
          %dma_wait3A = arith.constant 10000 : i32
          %dma_wait3A_71 = arith.constant 0 : i32
          %dma_wait3A_72 = tpu.memref_slice %arg11[%dma_wait3A, %dma_wait3A_71] : memref<10064x128xf32, #tpu.memory_space<vmem_shared>> -> memref<64x128xf32, #tpu.memory_space<vmem_shared>>
          %dma_wait3A_73 = arith.constant 0 : i32
          %dma_wait3A_74 = arith.constant 0 : i32
          %dma_wait3A_75 = tpu.memref_slice %arg5[%dma_wait3A_73, %dma_wait3A_74] : memref<624x128xf32, #tpu.memory_space<hbm>> -> memref<64x128xf32, #tpu.memory_space<hbm>>
          tpu.wait_dma2 semaphore(%run_scoped3A : memref<!tpu.dma_semaphore, #tpu.memory_space<semaphore_mem>>) src(%dma_wait3A_75 : memref<64x128xf32, #tpu.memory_space<hbm>>) dst(%dma_wait3A_72 : memref<64x128xf32, #tpu.memory_space<vmem_shared>>)
          tpu.yield
        }) : () -> ()
      } else {
      }
    } else {
    }
    %eq3A_3 = arith.constant 1 : i32
    %eq3A_4 = arith.cmpi eq, %arg0, %eq3A_3 : i32
    %convert_element_type3A_5 = arith.extui %eq3A_4 : i1 to i32
    %cond3A_6 = arith.constant 0 : i32
    %cond3A_7 = arith.cmpi ne, %convert_element_type3A_5, %cond3A_6 : i32
    scf.if %cond3A_7 {
      %mul3A_56 = arith.constant 624 : i32
      %mul3A_57 = arith.muli %arg1, %mul3A_56 : i32
      "tpu.region"() ({
        %run_scoped3A = tpu.sem_alloc : memref<!tpu.dma_semaphore, #tpu.memory_space<semaphore_mem>>
        %dma_start3A_63 = arith.constant 0 : i32
        %dma_start3A_64 = tpu.memref_slice %arg11[%mul3A_57, %dma_start3A_63] : memref<10064x128xf32, #tpu.memory_space<vmem_shared>> -> memref<624x128xf32, #tpu.memory_space<vmem_shared>>
        tpu.enqueue_dma source(%arg5 : memref<624x128xf32, #tpu.memory_space<hbm>>) target(%dma_start3A_64 : memref<624x128xf32, #tpu.memory_space<vmem_shared>>) target_semaphore(%run_scoped3A : memref<!tpu.dma_semaphore, #tpu.memory_space<semaphore_mem>>)
        %dma_wait3A = arith.constant 0 : i32
        %dma_wait3A_65 = tpu.memref_slice %arg11[%mul3A_57, %dma_wait3A] : memref<10064x128xf32, #tpu.memory_space<vmem_shared>> -> memref<624x128xf32, #tpu.memory_space<vmem_shared>>
        tpu.wait_dma2 semaphore(%run_scoped3A : memref<!tpu.dma_semaphore, #tpu.memory_space<semaphore_mem>>) src(%arg5 : memref<624x128xf32, #tpu.memory_space<hbm>>) dst(%dma_wait3A_65 : memref<624x128xf32, #tpu.memory_space<vmem_shared>>)
        tpu.yield
      }) : () -> ()
      %eq3A_58 = arith.constant 15 : i32
      %eq3A_59 = arith.cmpi eq, %arg1, %eq3A_58 : i32
      %convert_element_type3A_60 = arith.extui %eq3A_59 : i1 to i32
      %cond3A_61 = arith.constant 0 : i32
      %cond3A_62 = arith.cmpi ne, %convert_element_type3A_60, %cond3A_61 : i32
      scf.if %cond3A_62 {
        "tpu.region"() ({
          %run_scoped3A = tpu.sem_alloc : memref<!tpu.dma_semaphore, #tpu.memory_space<semaphore_mem>>
          %dma_start3A_63 = arith.constant 9984 : i32
          %dma_start3A_64 = arith.constant 0 : i32
          %dma_start3A_65 = tpu.memref_slice %arg11[%dma_start3A_63, %dma_start3A_64] : memref<10064x128xf32, #tpu.memory_space<vmem_shared>> -> memref<80x128xf32, #tpu.memory_space<vmem_shared>>
          %dma_start3A_66 = arith.constant 0 : i32
          %dma_start3A_67 = arith.constant 0 : i32
          %dma_start3A_68 = tpu.memref_slice %arg5[%dma_start3A_66, %dma_start3A_67] : memref<624x128xf32, #tpu.memory_space<hbm>> -> memref<80x128xf32, #tpu.memory_space<hbm>>
          tpu.enqueue_dma source(%dma_start3A_68 : memref<80x128xf32, #tpu.memory_space<hbm>>) target(%dma_start3A_65 : memref<80x128xf32, #tpu.memory_space<vmem_shared>>) target_semaphore(%run_scoped3A : memref<!tpu.dma_semaphore, #tpu.memory_space<semaphore_mem>>)
          %dma_wait3A = arith.constant 9984 : i32
          %dma_wait3A_69 = arith.constant 0 : i32
          %dma_wait3A_70 = tpu.memref_slice %arg11[%dma_wait3A, %dma_wait3A_69] : memref<10064x128xf32, #tpu.memory_space<vmem_shared>> -> memref<80x128xf32, #tpu.memory_space<vmem_shared>>
          %dma_wait3A_71 = arith.constant 0 : i32
          %dma_wait3A_72 = arith.constant 0 : i32
          %dma_wait3A_73 = tpu.memref_slice %arg5[%dma_wait3A_71, %dma_wait3A_72] : memref<624x128xf32, #tpu.memory_space<hbm>> -> memref<80x128xf32, #tpu.memory_space<hbm>>
          tpu.wait_dma2 semaphore(%run_scoped3A : memref<!tpu.dma_semaphore, #tpu.memory_space<semaphore_mem>>) src(%dma_wait3A_73 : memref<80x128xf32, #tpu.memory_space<hbm>>) dst(%dma_wait3A_70 : memref<80x128xf32, #tpu.memory_space<vmem_shared>>)
          tpu.yield
        }) : () -> ()
      } else {
      }
    } else {
    }
    %barrier3A = arith.constant 0 : index
    tpu.barrier barrier_id(%barrier3A)
    "tpu.region"() ({
      %run_scoped3A = tpu.sem_alloc : memref<!tpu.dma_semaphore, #tpu.memory_space<semaphore_mem>>
      %dma_start3A_56 = arith.constant 0 : i32
      %dma_start3A_57 = arith.constant 0 : i32
      %dma_start3A_58 = tpu.memref_slice %arg7[%dma_start3A_56, %dma_start3A_57] : memref<64x128xi32, #tpu.memory_space<vmem>> -> memref<64x128xi32, #tpu.memory_space<vmem>>
      %dma_start3A_59 = arith.constant 0 : i32
      %dma_start3A_60 = arith.constant 0 : i32
      %dma_start3A_61 = tpu.memref_slice %arg2[%add3A, %dma_start3A_59, %dma_start3A_60] : memref<32x80x128xi32, #tpu.memory_space<hbm>> -> memref<1x64x128xi32, #tpu.memory_space<hbm>>
      %dma_start3A_62 = tpu.memref_squeeze %dma_start3A_61 : memref<1x64x128xi32, #tpu.memory_space<hbm>> -> memref<64x128xi32, #tpu.memory_space<hbm>>
      %dma_start3A_63 = arith.constant 0 : i32
      %dma_start3A_64 = arith.constant 0 : i32
      %dma_start3A_65 = tpu.memref_slice %arg7[%dma_start3A_63, %dma_start3A_64] : memref<64x128xi32, #tpu.memory_space<vmem>> -> memref<64x128xi32, #tpu.memory_space<vmem>>
      %dma_start3A_66 = arith.constant 0 : i32
      %dma_start3A_67 = arith.constant 0 : i32
      %dma_start3A_68 = tpu.memref_slice %arg2[%add3A, %dma_start3A_66, %dma_start3A_67] : memref<32x80x128xi32, #tpu.memory_space<hbm>> -> memref<1x64x128xi32, #tpu.memory_space<hbm>>
      %dma_start3A_69 = tpu.memref_squeeze %dma_start3A_68 : memref<1x64x128xi32, #tpu.memory_space<hbm>> -> memref<64x128xi32, #tpu.memory_space<hbm>>
      tpu.enqueue_dma source(%dma_start3A_69 : memref<64x128xi32, #tpu.memory_space<hbm>>) target(%dma_start3A_65 : memref<64x128xi32, #tpu.memory_space<vmem>>) target_semaphore(%run_scoped3A : memref<!tpu.dma_semaphore, #tpu.memory_space<semaphore_mem>>)
      %dma_wait3A = arith.constant 0 : i32
      %dma_wait3A_70 = arith.constant 0 : i32
      %dma_wait3A_71 = tpu.memref_slice %arg7[%dma_wait3A, %dma_wait3A_70] : memref<64x128xi32, #tpu.memory_space<vmem>> -> memref<64x128xi32, #tpu.memory_space<vmem>>
      %dma_wait3A_72 = arith.constant 0 : i32
      %dma_wait3A_73 = arith.constant 0 : i32
      %dma_wait3A_74 = tpu.memref_slice %arg2[%add3A, %dma_wait3A_72, %dma_wait3A_73] : memref<32x80x128xi32, #tpu.memory_space<hbm>> -> memref<1x64x128xi32, #tpu.memory_space<hbm>>
      %dma_wait3A_75 = tpu.memref_squeeze %dma_wait3A_74 : memref<1x64x128xi32, #tpu.memory_space<hbm>> -> memref<64x128xi32, #tpu.memory_space<hbm>>
      %dma_wait3A_76 = arith.constant 0 : i32
      %dma_wait3A_77 = arith.constant 0 : i32
      %dma_wait3A_78 = tpu.memref_slice %arg7[%dma_wait3A_76, %dma_wait3A_77] : memref<64x128xi32, #tpu.memory_space<vmem>> -> memref<64x128xi32, #tpu.memory_space<vmem>>
      %dma_wait3A_79 = arith.constant 0 : i32
      %dma_wait3A_80 = arith.constant 0 : i32
      %dma_wait3A_81 = tpu.memref_slice %arg2[%add3A, %dma_wait3A_79, %dma_wait3A_80] : memref<32x80x128xi32, #tpu.memory_space<hbm>> -> memref<1x64x128xi32, #tpu.memory_space<hbm>>
      %dma_wait3A_82 = tpu.memref_squeeze %dma_wait3A_81 : memref<1x64x128xi32, #tpu.memory_space<hbm>> -> memref<64x128xi32, #tpu.memory_space<hbm>>
      tpu.wait_dma2 semaphore(%run_scoped3A : memref<!tpu.dma_semaphore, #tpu.memory_space<semaphore_mem>>) src(%dma_wait3A_82 : memref<64x128xi32, #tpu.memory_space<hbm>>) dst(%dma_wait3A_78 : memref<64x128xi32, #tpu.memory_space<vmem>>)
      tpu.yield
    }) : () -> ()
    "tpu.region"() ({
      %run_scoped3A = tpu.sem_alloc : memref<!tpu.dma_semaphore, #tpu.memory_space<semaphore_mem>>
      %dma_start3A_56 = arith.constant 0 : i32
      %dma_start3A_57 = arith.constant 0 : i32
      %dma_start3A_58 = tpu.memref_slice %arg8[%dma_start3A_56, %dma_start3A_57] : memref<64x128xi32, #tpu.memory_space<vmem>> -> memref<64x128xi32, #tpu.memory_space<vmem>>
      %dma_start3A_59 = arith.constant 0 : i32
      %dma_start3A_60 = arith.constant 0 : i32
      %dma_start3A_61 = tpu.memref_slice %arg3[%add3A, %dma_start3A_59, %dma_start3A_60] : memref<32x80x128xi32, #tpu.memory_space<hbm>> -> memref<1x64x128xi32, #tpu.memory_space<hbm>>
      %dma_start3A_62 = tpu.memref_squeeze %dma_start3A_61 : memref<1x64x128xi32, #tpu.memory_space<hbm>> -> memref<64x128xi32, #tpu.memory_space<hbm>>
      %dma_start3A_63 = arith.constant 0 : i32
      %dma_start3A_64 = arith.constant 0 : i32
      %dma_start3A_65 = tpu.memref_slice %arg8[%dma_start3A_63, %dma_start3A_64] : memref<64x128xi32, #tpu.memory_space<vmem>> -> memref<64x128xi32, #tpu.memory_space<vmem>>
      %dma_start3A_66 = arith.constant 0 : i32
      %dma_start3A_67 = arith.constant 0 : i32
      %dma_start3A_68 = tpu.memref_slice %arg3[%add3A, %dma_start3A_66, %dma_start3A_67] : memref<32x80x128xi32, #tpu.memory_space<hbm>> -> memref<1x64x128xi32, #tpu.memory_space<hbm>>
      %dma_start3A_69 = tpu.memref_squeeze %dma_start3A_68 : memref<1x64x128xi32, #tpu.memory_space<hbm>> -> memref<64x128xi32, #tpu.memory_space<hbm>>
      tpu.enqueue_dma source(%dma_start3A_69 : memref<64x128xi32, #tpu.memory_space<hbm>>) target(%dma_start3A_65 : memref<64x128xi32, #tpu.memory_space<vmem>>) target_semaphore(%run_scoped3A : memref<!tpu.dma_semaphore, #tpu.memory_space<semaphore_mem>>)
      %dma_wait3A = arith.constant 0 : i32
      %dma_wait3A_70 = arith.constant 0 : i32
      %dma_wait3A_71 = tpu.memref_slice %arg8[%dma_wait3A, %dma_wait3A_70] : memref<64x128xi32, #tpu.memory_space<vmem>> -> memref<64x128xi32, #tpu.memory_space<vmem>>
      %dma_wait3A_72 = arith.constant 0 : i32
      %dma_wait3A_73 = arith.constant 0 : i32
      %dma_wait3A_74 = tpu.memref_slice %arg3[%add3A, %dma_wait3A_72, %dma_wait3A_73] : memref<32x80x128xi32, #tpu.memory_space<hbm>> -> memref<1x64x128xi32, #tpu.memory_space<hbm>>
      %dma_wait3A_75 = tpu.memref_squeeze %dma_wait3A_74 : memref<1x64x128xi32, #tpu.memory_space<hbm>> -> memref<64x128xi32, #tpu.memory_space<hbm>>
      %dma_wait3A_76 = arith.constant 0 : i32
      %dma_wait3A_77 = arith.constant 0 : i32
      %dma_wait3A_78 = tpu.memref_slice %arg8[%dma_wait3A_76, %dma_wait3A_77] : memref<64x128xi32, #tpu.memory_space<vmem>> -> memref<64x128xi32, #tpu.memory_space<vmem>>
      %dma_wait3A_79 = arith.constant 0 : i32
      %dma_wait3A_80 = arith.constant 0 : i32
      %dma_wait3A_81 = tpu.memref_slice %arg3[%add3A, %dma_wait3A_79, %dma_wait3A_80] : memref<32x80x128xi32, #tpu.memory_space<hbm>> -> memref<1x64x128xi32, #tpu.memory_space<hbm>>
      %dma_wait3A_82 = tpu.memref_squeeze %dma_wait3A_81 : memref<1x64x128xi32, #tpu.memory_space<hbm>> -> memref<64x128xi32, #tpu.memory_space<hbm>>
      tpu.wait_dma2 semaphore(%run_scoped3A : memref<!tpu.dma_semaphore, #tpu.memory_space<semaphore_mem>>) src(%dma_wait3A_82 : memref<64x128xi32, #tpu.memory_space<hbm>>) dst(%dma_wait3A_78 : memref<64x128xi32, #tpu.memory_space<vmem>>)
      tpu.yield
    }) : () -> ()
    %dma_start3A = arith.constant 0 : i32
    %dma_start3A_8 = arith.constant 0 : i32
    %dma_start3A_9 = tpu.memref_slice %arg7[%dma_start3A, %dma_start3A_8] : memref<64x128xi32, #tpu.memory_space<vmem>> -> memref<1x128xi32, #tpu.memory_space<vmem>>
    %dma_start3A_10 = tpu.memref_squeeze %dma_start3A_9 : memref<1x128xi32, #tpu.memory_space<vmem>> -> memref<128xi32, #tpu.memory_space<vmem>>
    %dma_start3A_11 = arith.constant 0 : i32
    %dma_start3A_12 = arith.constant 0 : i32
    %dma_start3A_13 = tpu.memref_slice %arg4[%dma_start3A_11, %dma_start3A_12] : memref<10000x128xf32, #tpu.memory_space<hbm>> -> memref<10000x128xf32, #tpu.memory_space<hbm>>
    tpu.enqueue_indirect_dma source(%dma_start3A_13 : memref<10000x128xf32, #tpu.memory_space<hbm>>) target(%arg9 : memref<128x128xf32, #tpu.memory_space<vmem>>) offsets(%dma_start3A_10 : memref<128xi32, #tpu.memory_space<vmem>>) semaphore(%arg12 : memref<!tpu.dma_semaphore, #tpu.memory_space<semaphore_mem>>)
    %dma_start3A_14 = arith.constant 1 : i32
    %dma_start3A_15 = arith.constant 0 : i32
    %dma_start3A_16 = tpu.memref_slice %arg7[%dma_start3A_14, %dma_start3A_15] : memref<64x128xi32, #tpu.memory_space<vmem>> -> memref<1x128xi32, #tpu.memory_space<vmem>>
    %dma_start3A_17 = tpu.memref_squeeze %dma_start3A_16 : memref<1x128xi32, #tpu.memory_space<vmem>> -> memref<128xi32, #tpu.memory_space<vmem>>
    %dma_start3A_18 = arith.constant 0 : i32
    %dma_start3A_19 = arith.constant 0 : i32
    %dma_start3A_20 = tpu.memref_slice %arg4[%dma_start3A_18, %dma_start3A_19] : memref<10000x128xf32, #tpu.memory_space<hbm>> -> memref<10000x128xf32, #tpu.memory_space<hbm>>
    tpu.enqueue_indirect_dma source(%dma_start3A_20 : memref<10000x128xf32, #tpu.memory_space<hbm>>) target(%arg10 : memref<128x128xf32, #tpu.memory_space<vmem>>) offsets(%dma_start3A_17 : memref<128xi32, #tpu.memory_space<vmem>>) semaphore(%arg13 : memref<!tpu.dma_semaphore, #tpu.memory_space<semaphore_mem>>)
    %scan3A = arith.constant 0 : i32
    %scan3A_21 = arith.constant 0 : i32
    %scan3A_22 = arith.constant 32 : i32
    %scan3A_23 = arith.addi %scan3A_21, %scan3A_22 : i32
    %scan3A_24 = arith.constant 1 : i32
    scf.for %scan3A_56 = %scan3A_21 to %scan3A_23 step %scan3A_24  : i32 {
      %mul3A_57 = arith.constant 2 : i32
      %mul3A_58 = arith.muli %mul3A_57, %scan3A_56 : i32
      %add3A_59 = arith.constant 1 : i32
      %add3A_60 = arith.addi %mul3A_58, %add3A_59 : i32
      %dma_wait3A = arith.constant 0 : i32
      %dma_wait3A_61 = arith.constant 0 : i32
      %dma_wait3A_62 = tpu.memref_slice %arg7[%dma_wait3A, %dma_wait3A_61] : memref<64x128xi32, #tpu.memory_space<vmem>> -> memref<1x128xi32, #tpu.memory_space<vmem>>
      %dma_wait3A_63 = tpu.memref_squeeze %dma_wait3A_62 : memref<1x128xi32, #tpu.memory_space<vmem>> -> memref<128xi32, #tpu.memory_space<vmem>>
      %dma_wait3A_64 = arith.constant 0 : i32
      %dma_wait3A_65 = arith.constant 0 : i32
      %dma_wait3A_66 = tpu.memref_slice %arg4[%dma_wait3A_64, %dma_wait3A_65] : memref<10000x128xf32, #tpu.memory_space<hbm>> -> memref<10000x128xf32, #tpu.memory_space<hbm>>
      tpu.wait_indirect_dma semaphore(%arg12 : memref<!tpu.dma_semaphore, #tpu.memory_space<semaphore_mem>>) src(%dma_wait3A_66 : memref<10000x128xf32, #tpu.memory_space<hbm>>) dst(%arg9 : memref<128x128xf32, #tpu.memory_space<vmem>>)
      "tpu.region"() ({
        %run_scoped3A = tpu.sem_alloc : memref<!tpu.dma_semaphore, #tpu.memory_space<semaphore_mem>>
        %dma_start3A_87 = arith.constant 0 : i32
        %dma_start3A_88 = tpu.memref_slice %arg8[%mul3A_58, %dma_start3A_87] : memref<64x128xi32, #tpu.memory_space<vmem>> -> memref<1x128xi32, #tpu.memory_space<vmem>>
        %dma_start3A_89 = tpu.memref_squeeze %dma_start3A_88 : memref<1x128xi32, #tpu.memory_space<vmem>> -> memref<128xi32, #tpu.memory_space<vmem>>
        %dma_start3A_90 = arith.constant 0 : i32
        %dma_start3A_91 = arith.constant 0 : i32
        %dma_start3A_92 = tpu.memref_slice %arg11[%dma_start3A_90, %dma_start3A_91] : memref<10064x128xf32, #tpu.memory_space<vmem_shared>> -> memref<10064x128xf32, #tpu.memory_space<vmem_shared>>
        tpu.enqueue_indirect_dma source(%arg9 : memref<128x128xf32, #tpu.memory_space<vmem>>) target(%dma_start3A_92 : memref<10064x128xf32, #tpu.memory_space<vmem_shared>>) offsets(%dma_start3A_89 : memref<128xi32, #tpu.memory_space<vmem>>) semaphore(%run_scoped3A : memref<!tpu.dma_semaphore, #tpu.memory_space<semaphore_mem>>) {add = true}
        %dma_wait3A_93 = arith.constant 0 : i32
        %dma_wait3A_94 = tpu.memref_slice %arg8[%mul3A_58, %dma_wait3A_93] : memref<64x128xi32, #tpu.memory_space<vmem>> -> memref<1x128xi32, #tpu.memory_space<vmem>>
        %dma_wait3A_95 = tpu.memref_squeeze %dma_wait3A_94 : memref<1x128xi32, #tpu.memory_space<vmem>> -> memref<128xi32, #tpu.memory_space<vmem>>
        %dma_wait3A_96 = arith.constant 0 : i32
        %dma_wait3A_97 = arith.constant 0 : i32
        %dma_wait3A_98 = tpu.memref_slice %arg11[%dma_wait3A_96, %dma_wait3A_97] : memref<10064x128xf32, #tpu.memory_space<vmem_shared>> -> memref<10064x128xf32, #tpu.memory_space<vmem_shared>>
        tpu.wait_indirect_dma semaphore(%run_scoped3A : memref<!tpu.dma_semaphore, #tpu.memory_space<semaphore_mem>>) src(%arg9 : memref<128x128xf32, #tpu.memory_space<vmem>>) dst(%dma_wait3A_98 : memref<10064x128xf32, #tpu.memory_space<vmem_shared>>)
        tpu.yield
      }) : () -> ()
      %add3A_67 = arith.constant 2 : i32
      %add3A_68 = arith.addi %mul3A_58, %add3A_67 : i32
      %lt3A = arith.constant 64 : i32
      %lt3A_69 = arith.cmpi slt, %add3A_68, %lt3A : i32
      %convert_element_type3A_70 = arith.extui %lt3A_69 : i1 to i32
      %cond3A_71 = arith.constant 0 : i32
      %cond3A_72 = arith.cmpi ne, %convert_element_type3A_70, %cond3A_71 : i32
      scf.if %cond3A_72 {
        %add3A_87 = arith.constant 2 : i32
        %add3A_88 = arith.addi %mul3A_58, %add3A_87 : i32
        %dma_start3A_89 = arith.constant 0 : i32
        %dma_start3A_90 = tpu.memref_slice %arg7[%add3A_88, %dma_start3A_89] : memref<64x128xi32, #tpu.memory_space<vmem>> -> memref<1x128xi32, #tpu.memory_space<vmem>>
        %dma_start3A_91 = tpu.memref_squeeze %dma_start3A_90 : memref<1x128xi32, #tpu.memory_space<vmem>> -> memref<128xi32, #tpu.memory_space<vmem>>
        %dma_start3A_92 = arith.constant 0 : i32
        %dma_start3A_93 = arith.constant 0 : i32
        %dma_start3A_94 = tpu.memref_slice %arg4[%dma_start3A_92, %dma_start3A_93] : memref<10000x128xf32, #tpu.memory_space<hbm>> -> memref<10000x128xf32, #tpu.memory_space<hbm>>
        tpu.enqueue_indirect_dma source(%dma_start3A_94 : memref<10000x128xf32, #tpu.memory_space<hbm>>) target(%arg9 : memref<128x128xf32, #tpu.memory_space<vmem>>) offsets(%dma_start3A_91 : memref<128xi32, #tpu.memory_space<vmem>>) semaphore(%arg12 : memref<!tpu.dma_semaphore, #tpu.memory_space<semaphore_mem>>)
      } else {
      }
      %dma_wait3A_73 = arith.constant 0 : i32
      %dma_wait3A_74 = arith.constant 0 : i32
      %dma_wait3A_75 = tpu.memref_slice %arg7[%dma_wait3A_73, %dma_wait3A_74] : memref<64x128xi32, #tpu.memory_space<vmem>> -> memref<1x128xi32, #tpu.memory_space<vmem>>
      %dma_wait3A_76 = tpu.memref_squeeze %dma_wait3A_75 : memref<1x128xi32, #tpu.memory_space<vmem>> -> memref<128xi32, #tpu.memory_space<vmem>>
      %dma_wait3A_77 = arith.constant 0 : i32
      %dma_wait3A_78 = arith.constant 0 : i32
      %dma_wait3A_79 = tpu.memref_slice %arg4[%dma_wait3A_77, %dma_wait3A_78] : memref<10000x128xf32, #tpu.memory_space<hbm>> -> memref<10000x128xf32, #tpu.memory_space<hbm>>
      tpu.wait_indirect_dma semaphore(%arg13 : memref<!tpu.dma_semaphore, #tpu.memory_space<semaphore_mem>>) src(%dma_wait3A_79 : memref<10000x128xf32, #tpu.memory_space<hbm>>) dst(%arg10 : memref<128x128xf32, #tpu.memory_space<vmem>>)
      "tpu.region"() ({
        %run_scoped3A = tpu.sem_alloc : memref<!tpu.dma_semaphore, #tpu.memory_space<semaphore_mem>>
        %dma_start3A_87 = arith.constant 0 : i32
        %dma_start3A_88 = tpu.memref_slice %arg8[%add3A_60, %dma_start3A_87] : memref<64x128xi32, #tpu.memory_space<vmem>> -> memref<1x128xi32, #tpu.memory_space<vmem>>
        %dma_start3A_89 = tpu.memref_squeeze %dma_start3A_88 : memref<1x128xi32, #tpu.memory_space<vmem>> -> memref<128xi32, #tpu.memory_space<vmem>>
        %dma_start3A_90 = arith.constant 0 : i32
        %dma_start3A_91 = arith.constant 0 : i32
        %dma_start3A_92 = tpu.memref_slice %arg11[%dma_start3A_90, %dma_start3A_91] : memref<10064x128xf32, #tpu.memory_space<vmem_shared>> -> memref<10064x128xf32, #tpu.memory_space<vmem_shared>>
        tpu.enqueue_indirect_dma source(%arg10 : memref<128x128xf32, #tpu.memory_space<vmem>>) target(%dma_start3A_92 : memref<10064x128xf32, #tpu.memory_space<vmem_shared>>) offsets(%dma_start3A_89 : memref<128xi32, #tpu.memory_space<vmem>>) semaphore(%run_scoped3A : memref<!tpu.dma_semaphore, #tpu.memory_space<semaphore_mem>>) {add = true}
        %dma_wait3A_93 = arith.constant 0 : i32
        %dma_wait3A_94 = tpu.memref_slice %arg8[%add3A_60, %dma_wait3A_93] : memref<64x128xi32, #tpu.memory_space<vmem>> -> memref<1x128xi32, #tpu.memory_space<vmem>>
        %dma_wait3A_95 = tpu.memref_squeeze %dma_wait3A_94 : memref<1x128xi32, #tpu.memory_space<vmem>> -> memref<128xi32, #tpu.memory_space<vmem>>
        %dma_wait3A_96 = arith.constant 0 : i32
        %dma_wait3A_97 = arith.constant 0 : i32
        %dma_wait3A_98 = tpu.memref_slice %arg11[%dma_wait3A_96, %dma_wait3A_97] : memref<10064x128xf32, #tpu.memory_space<vmem_shared>> -> memref<10064x128xf32, #tpu.memory_space<vmem_shared>>
        tpu.wait_indirect_dma semaphore(%run_scoped3A : memref<!tpu.dma_semaphore, #tpu.memory_space<semaphore_mem>>) src(%arg10 : memref<128x128xf32, #tpu.memory_space<vmem>>) dst(%dma_wait3A_98 : memref<10064x128xf32, #tpu.memory_space<vmem_shared>>)
        tpu.yield
      }) : () -> ()
      %add3A_80 = arith.constant 2 : i32
      %add3A_81 = arith.addi %add3A_60, %add3A_80 : i32
      %lt3A_82 = arith.constant 64 : i32
      %lt3A_83 = arith.cmpi slt, %add3A_81, %lt3A_82 : i32
      %convert_element_type3A_84 = arith.extui %lt3A_83 : i1 to i32
      %cond3A_85 = arith.constant 0 : i32
      %cond3A_86 = arith.cmpi ne, %convert_element_type3A_84, %cond3A_85 : i32
      scf.if %cond3A_86 {
        %add3A_87 = arith.constant 2 : i32
        %add3A_88 = arith.addi %add3A_60, %add3A_87 : i32
        %dma_start3A_89 = arith.constant 0 : i32
        %dma_start3A_90 = tpu.memref_slice %arg7[%add3A_88, %dma_start3A_89] : memref<64x128xi32, #tpu.memory_space<vmem>> -> memref<1x128xi32, #tpu.memory_space<vmem>>
        %dma_start3A_91 = tpu.memref_squeeze %dma_start3A_90 : memref<1x128xi32, #tpu.memory_space<vmem>> -> memref<128xi32, #tpu.memory_space<vmem>>
        %dma_start3A_92 = arith.constant 0 : i32
        %dma_start3A_93 = arith.constant 0 : i32
        %dma_start3A_94 = tpu.memref_slice %arg4[%dma_start3A_92, %dma_start3A_93] : memref<10000x128xf32, #tpu.memory_space<hbm>> -> memref<10000x128xf32, #tpu.memory_space<hbm>>
        tpu.enqueue_indirect_dma source(%dma_start3A_94 : memref<10000x128xf32, #tpu.memory_space<hbm>>) target(%arg10 : memref<128x128xf32, #tpu.memory_space<vmem>>) offsets(%dma_start3A_91 : memref<128xi32, #tpu.memory_space<vmem>>) semaphore(%arg13 : memref<!tpu.dma_semaphore, #tpu.memory_space<semaphore_mem>>)
      } else {
      }
    }
    %scan3A_25 = arith.constant 32 : i32
    "tpu.region"() ({
      %run_scoped3A = tpu.sem_alloc : memref<!tpu.dma_semaphore, #tpu.memory_space<semaphore_mem>>
      %dma_start3A_56 = arith.constant 0 : i32
      %dma_start3A_57 = arith.constant 0 : i32
      %dma_start3A_58 = tpu.memref_slice %arg7[%dma_start3A_56, %dma_start3A_57] : memref<64x128xi32, #tpu.memory_space<vmem>> -> memref<16x128xi32, #tpu.memory_space<vmem>>
      %dma_start3A_59 = arith.constant 64 : i32
      %dma_start3A_60 = arith.constant 0 : i32
      %dma_start3A_61 = tpu.memref_slice %arg2[%add3A, %dma_start3A_59, %dma_start3A_60] : memref<32x80x128xi32, #tpu.memory_space<hbm>> -> memref<1x16x128xi32, #tpu.memory_space<hbm>>
      %dma_start3A_62 = tpu.memref_squeeze %dma_start3A_61 : memref<1x16x128xi32, #tpu.memory_space<hbm>> -> memref<16x128xi32, #tpu.memory_space<hbm>>
      %dma_start3A_63 = arith.constant 0 : i32
      %dma_start3A_64 = arith.constant 0 : i32
      %dma_start3A_65 = tpu.memref_slice %arg7[%dma_start3A_63, %dma_start3A_64] : memref<64x128xi32, #tpu.memory_space<vmem>> -> memref<16x128xi32, #tpu.memory_space<vmem>>
      %dma_start3A_66 = arith.constant 64 : i32
      %dma_start3A_67 = arith.constant 0 : i32
      %dma_start3A_68 = tpu.memref_slice %arg2[%add3A, %dma_start3A_66, %dma_start3A_67] : memref<32x80x128xi32, #tpu.memory_space<hbm>> -> memref<1x16x128xi32, #tpu.memory_space<hbm>>
      %dma_start3A_69 = tpu.memref_squeeze %dma_start3A_68 : memref<1x16x128xi32, #tpu.memory_space<hbm>> -> memref<16x128xi32, #tpu.memory_space<hbm>>
      tpu.enqueue_dma source(%dma_start3A_69 : memref<16x128xi32, #tpu.memory_space<hbm>>) target(%dma_start3A_65 : memref<16x128xi32, #tpu.memory_space<vmem>>) target_semaphore(%run_scoped3A : memref<!tpu.dma_semaphore, #tpu.memory_space<semaphore_mem>>)
      %dma_wait3A = arith.constant 0 : i32
      %dma_wait3A_70 = arith.constant 0 : i32
      %dma_wait3A_71 = tpu.memref_slice %arg7[%dma_wait3A, %dma_wait3A_70] : memref<64x128xi32, #tpu.memory_space<vmem>> -> memref<16x128xi32, #tpu.memory_space<vmem>>
      %dma_wait3A_72 = arith.constant 64 : i32
      %dma_wait3A_73 = arith.constant 0 : i32
      %dma_wait3A_74 = tpu.memref_slice %arg2[%add3A, %dma_wait3A_72, %dma_wait3A_73] : memref<32x80x128xi32, #tpu.memory_space<hbm>> -> memref<1x16x128xi32, #tpu.memory_space<hbm>>
      %dma_wait3A_75 = tpu.memref_squeeze %dma_wait3A_74 : memref<1x16x128xi32, #tpu.memory_space<hbm>> -> memref<16x128xi32, #tpu.memory_space<hbm>>
      %dma_wait3A_76 = arith.constant 0 : i32
      %dma_wait3A_77 = arith.constant 0 : i32
      %dma_wait3A_78 = tpu.memref_slice %arg7[%dma_wait3A_76, %dma_wait3A_77] : memref<64x128xi32, #tpu.memory_space<vmem>> -> memref<16x128xi32, #tpu.memory_space<vmem>>
      %dma_wait3A_79 = arith.constant 64 : i32
      %dma_wait3A_80 = arith.constant 0 : i32
      %dma_wait3A_81 = tpu.memref_slice %arg2[%add3A, %dma_wait3A_79, %dma_wait3A_80] : memref<32x80x128xi32, #tpu.memory_space<hbm>> -> memref<1x16x128xi32, #tpu.memory_space<hbm>>
      %dma_wait3A_82 = tpu.memref_squeeze %dma_wait3A_81 : memref<1x16x128xi32, #tpu.memory_space<hbm>> -> memref<16x128xi32, #tpu.memory_space<hbm>>
      tpu.wait_dma2 semaphore(%run_scoped3A : memref<!tpu.dma_semaphore, #tpu.memory_space<semaphore_mem>>) src(%dma_wait3A_82 : memref<16x128xi32, #tpu.memory_space<hbm>>) dst(%dma_wait3A_78 : memref<16x128xi32, #tpu.memory_space<vmem>>)
      tpu.yield
    }) : () -> ()
    "tpu.region"() ({
      %run_scoped3A = tpu.sem_alloc : memref<!tpu.dma_semaphore, #tpu.memory_space<semaphore_mem>>
      %dma_start3A_56 = arith.constant 0 : i32
      %dma_start3A_57 = arith.constant 0 : i32
      %dma_start3A_58 = tpu.memref_slice %arg8[%dma_start3A_56, %dma_start3A_57] : memref<64x128xi32, #tpu.memory_space<vmem>> -> memref<16x128xi32, #tpu.memory_space<vmem>>
      %dma_start3A_59 = arith.constant 64 : i32
      %dma_start3A_60 = arith.constant 0 : i32
      %dma_start3A_61 = tpu.memref_slice %arg3[%add3A, %dma_start3A_59, %dma_start3A_60] : memref<32x80x128xi32, #tpu.memory_space<hbm>> -> memref<1x16x128xi32, #tpu.memory_space<hbm>>
      %dma_start3A_62 = tpu.memref_squeeze %dma_start3A_61 : memref<1x16x128xi32, #tpu.memory_space<hbm>> -> memref<16x128xi32, #tpu.memory_space<hbm>>
      %dma_start3A_63 = arith.constant 0 : i32
      %dma_start3A_64 = arith.constant 0 : i32
      %dma_start3A_65 = tpu.memref_slice %arg8[%dma_start3A_63, %dma_start3A_64] : memref<64x128xi32, #tpu.memory_space<vmem>> -> memref<16x128xi32, #tpu.memory_space<vmem>>
      %dma_start3A_66 = arith.constant 64 : i32
      %dma_start3A_67 = arith.constant 0 : i32
      %dma_start3A_68 = tpu.memref_slice %arg3[%add3A, %dma_start3A_66, %dma_start3A_67] : memref<32x80x128xi32, #tpu.memory_space<hbm>> -> memref<1x16x128xi32, #tpu.memory_space<hbm>>
      %dma_start3A_69 = tpu.memref_squeeze %dma_start3A_68 : memref<1x16x128xi32, #tpu.memory_space<hbm>> -> memref<16x128xi32, #tpu.memory_space<hbm>>
      tpu.enqueue_dma source(%dma_start3A_69 : memref<16x128xi32, #tpu.memory_space<hbm>>) target(%dma_start3A_65 : memref<16x128xi32, #tpu.memory_space<vmem>>) target_semaphore(%run_scoped3A : memref<!tpu.dma_semaphore, #tpu.memory_space<semaphore_mem>>)
      %dma_wait3A = arith.constant 0 : i32
      %dma_wait3A_70 = arith.constant 0 : i32
      %dma_wait3A_71 = tpu.memref_slice %arg8[%dma_wait3A, %dma_wait3A_70] : memref<64x128xi32, #tpu.memory_space<vmem>> -> memref<16x128xi32, #tpu.memory_space<vmem>>
      %dma_wait3A_72 = arith.constant 64 : i32
      %dma_wait3A_73 = arith.constant 0 : i32
      %dma_wait3A_74 = tpu.memref_slice %arg3[%add3A, %dma_wait3A_72, %dma_wait3A_73] : memref<32x80x128xi32, #tpu.memory_space<hbm>> -> memref<1x16x128xi32, #tpu.memory_space<hbm>>
      %dma_wait3A_75 = tpu.memref_squeeze %dma_wait3A_74 : memref<1x16x128xi32, #tpu.memory_space<hbm>> -> memref<16x128xi32, #tpu.memory_space<hbm>>
      %dma_wait3A_76 = arith.constant 0 : i32
      %dma_wait3A_77 = arith.constant 0 : i32
      %dma_wait3A_78 = tpu.memref_slice %arg8[%dma_wait3A_76, %dma_wait3A_77] : memref<64x128xi32, #tpu.memory_space<vmem>> -> memref<16x128xi32, #tpu.memory_space<vmem>>
      %dma_wait3A_79 = arith.constant 64 : i32
      %dma_wait3A_80 = arith.constant 0 : i32
      %dma_wait3A_81 = tpu.memref_slice %arg3[%add3A, %dma_wait3A_79, %dma_wait3A_80] : memref<32x80x128xi32, #tpu.memory_space<hbm>> -> memref<1x16x128xi32, #tpu.memory_space<hbm>>
      %dma_wait3A_82 = tpu.memref_squeeze %dma_wait3A_81 : memref<1x16x128xi32, #tpu.memory_space<hbm>> -> memref<16x128xi32, #tpu.memory_space<hbm>>
      tpu.wait_dma2 semaphore(%run_scoped3A : memref<!tpu.dma_semaphore, #tpu.memory_space<semaphore_mem>>) src(%dma_wait3A_82 : memref<16x128xi32, #tpu.memory_space<hbm>>) dst(%dma_wait3A_78 : memref<16x128xi32, #tpu.memory_space<vmem>>)
      tpu.yield
    }) : () -> ()
    %dma_start3A_26 = arith.constant 0 : i32
    %dma_start3A_27 = arith.constant 0 : i32
    %dma_start3A_28 = tpu.memref_slice %arg7[%dma_start3A_26, %dma_start3A_27] : memref<64x128xi32, #tpu.memory_space<vmem>> -> memref<1x128xi32, #tpu.memory_space<vmem>>
    %dma_start3A_29 = tpu.memref_squeeze %dma_start3A_28 : memref<1x128xi32, #tpu.memory_space<vmem>> -> memref<128xi32, #tpu.memory_space<vmem>>
    %dma_start3A_30 = arith.constant 0 : i32
    %dma_start3A_31 = arith.constant 0 : i32
    %dma_start3A_32 = tpu.memref_slice %arg4[%dma_start3A_30, %dma_start3A_31] : memref<10000x128xf32, #tpu.memory_space<hbm>> -> memref<10000x128xf32, #tpu.memory_space<hbm>>
    tpu.enqueue_indirect_dma source(%dma_start3A_32 : memref<10000x128xf32, #tpu.memory_space<hbm>>) target(%arg9 : memref<128x128xf32, #tpu.memory_space<vmem>>) offsets(%dma_start3A_29 : memref<128xi32, #tpu.memory_space<vmem>>) semaphore(%arg12 : memref<!tpu.dma_semaphore, #tpu.memory_space<semaphore_mem>>)
    %dma_start3A_33 = arith.constant 1 : i32
    %dma_start3A_34 = arith.constant 0 : i32
    %dma_start3A_35 = tpu.memref_slice %arg7[%dma_start3A_33, %dma_start3A_34] : memref<64x128xi32, #tpu.memory_space<vmem>> -> memref<1x128xi32, #tpu.memory_space<vmem>>
    %dma_start3A_36 = tpu.memref_squeeze %dma_start3A_35 : memref<1x128xi32, #tpu.memory_space<vmem>> -> memref<128xi32, #tpu.memory_space<vmem>>
    %dma_start3A_37 = arith.constant 0 : i32
    %dma_start3A_38 = arith.constant 0 : i32
    %dma_start3A_39 = tpu.memref_slice %arg4[%dma_start3A_37, %dma_start3A_38] : memref<10000x128xf32, #tpu.memory_space<hbm>> -> memref<10000x128xf32, #tpu.memory_space<hbm>>
    tpu.enqueue_indirect_dma source(%dma_start3A_39 : memref<10000x128xf32, #tpu.memory_space<hbm>>) target(%arg10 : memref<128x128xf32, #tpu.memory_space<vmem>>) offsets(%dma_start3A_36 : memref<128xi32, #tpu.memory_space<vmem>>) semaphore(%arg13 : memref<!tpu.dma_semaphore, #tpu.memory_space<semaphore_mem>>)
    %scan3A_40 = arith.constant 0 : i32
    %scan3A_41 = arith.constant 0 : i32
    %scan3A_42 = arith.constant 8 : i32
    %scan3A_43 = arith.addi %scan3A_41, %scan3A_42 : i32
    %scan3A_44 = arith.constant 1 : i32
    scf.for %scan3A_56 = %scan3A_41 to %scan3A_43 step %scan3A_44  : i32 {
      %mul3A_57 = arith.constant 2 : i32
      %mul3A_58 = arith.muli %mul3A_57, %scan3A_56 : i32
      %add3A_59 = arith.constant 1 : i32
      %add3A_60 = arith.addi %mul3A_58, %add3A_59 : i32
      %dma_wait3A = arith.constant 0 : i32
      %dma_wait3A_61 = arith.constant 0 : i32
      %dma_wait3A_62 = tpu.memref_slice %arg7[%dma_wait3A, %dma_wait3A_61] : memref<64x128xi32, #tpu.memory_space<vmem>> -> memref<1x128xi32, #tpu.memory_space<vmem>>
      %dma_wait3A_63 = tpu.memref_squeeze %dma_wait3A_62 : memref<1x128xi32, #tpu.memory_space<vmem>> -> memref<128xi32, #tpu.memory_space<vmem>>
      %dma_wait3A_64 = arith.constant 0 : i32
      %dma_wait3A_65 = arith.constant 0 : i32
      %dma_wait3A_66 = tpu.memref_slice %arg4[%dma_wait3A_64, %dma_wait3A_65] : memref<10000x128xf32, #tpu.memory_space<hbm>> -> memref<10000x128xf32, #tpu.memory_space<hbm>>
      tpu.wait_indirect_dma semaphore(%arg12 : memref<!tpu.dma_semaphore, #tpu.memory_space<semaphore_mem>>) src(%dma_wait3A_66 : memref<10000x128xf32, #tpu.memory_space<hbm>>) dst(%arg9 : memref<128x128xf32, #tpu.memory_space<vmem>>)
      "tpu.region"() ({
        %run_scoped3A = tpu.sem_alloc : memref<!tpu.dma_semaphore, #tpu.memory_space<semaphore_mem>>
        %dma_start3A_87 = arith.constant 0 : i32
        %dma_start3A_88 = tpu.memref_slice %arg8[%mul3A_58, %dma_start3A_87] : memref<64x128xi32, #tpu.memory_space<vmem>> -> memref<1x128xi32, #tpu.memory_space<vmem>>
        %dma_start3A_89 = tpu.memref_squeeze %dma_start3A_88 : memref<1x128xi32, #tpu.memory_space<vmem>> -> memref<128xi32, #tpu.memory_space<vmem>>
        %dma_start3A_90 = arith.constant 0 : i32
        %dma_start3A_91 = arith.constant 0 : i32
        %dma_start3A_92 = tpu.memref_slice %arg11[%dma_start3A_90, %dma_start3A_91] : memref<10064x128xf32, #tpu.memory_space<vmem_shared>> -> memref<10064x128xf32, #tpu.memory_space<vmem_shared>>
        tpu.enqueue_indirect_dma source(%arg9 : memref<128x128xf32, #tpu.memory_space<vmem>>) target(%dma_start3A_92 : memref<10064x128xf32, #tpu.memory_space<vmem_shared>>) offsets(%dma_start3A_89 : memref<128xi32, #tpu.memory_space<vmem>>) semaphore(%run_scoped3A : memref<!tpu.dma_semaphore, #tpu.memory_space<semaphore_mem>>) {add = true}
        %dma_wait3A_93 = arith.constant 0 : i32
        %dma_wait3A_94 = tpu.memref_slice %arg8[%mul3A_58, %dma_wait3A_93] : memref<64x128xi32, #tpu.memory_space<vmem>> -> memref<1x128xi32, #tpu.memory_space<vmem>>
        %dma_wait3A_95 = tpu.memref_squeeze %dma_wait3A_94 : memref<1x128xi32, #tpu.memory_space<vmem>> -> memref<128xi32, #tpu.memory_space<vmem>>
        %dma_wait3A_96 = arith.constant 0 : i32
        %dma_wait3A_97 = arith.constant 0 : i32
        %dma_wait3A_98 = tpu.memref_slice %arg11[%dma_wait3A_96, %dma_wait3A_97] : memref<10064x128xf32, #tpu.memory_space<vmem_shared>> -> memref<10064x128xf32, #tpu.memory_space<vmem_shared>>
        tpu.wait_indirect_dma semaphore(%run_scoped3A : memref<!tpu.dma_semaphore, #tpu.memory_space<semaphore_mem>>) src(%arg9 : memref<128x128xf32, #tpu.memory_space<vmem>>) dst(%dma_wait3A_98 : memref<10064x128xf32, #tpu.memory_space<vmem_shared>>)
        tpu.yield
      }) : () -> ()
      %add3A_67 = arith.constant 2 : i32
      %add3A_68 = arith.addi %mul3A_58, %add3A_67 : i32
      %lt3A = arith.constant 16 : i32
      %lt3A_69 = arith.cmpi slt, %add3A_68, %lt3A : i32
      %convert_element_type3A_70 = arith.extui %lt3A_69 : i1 to i32
      %cond3A_71 = arith.constant 0 : i32
      %cond3A_72 = arith.cmpi ne, %convert_element_type3A_70, %cond3A_71 : i32
      scf.if %cond3A_72 {
        %add3A_87 = arith.constant 2 : i32
        %add3A_88 = arith.addi %mul3A_58, %add3A_87 : i32
        %dma_start3A_89 = arith.constant 0 : i32
        %dma_start3A_90 = tpu.memref_slice %arg7[%add3A_88, %dma_start3A_89] : memref<64x128xi32, #tpu.memory_space<vmem>> -> memref<1x128xi32, #tpu.memory_space<vmem>>
        %dma_start3A_91 = tpu.memref_squeeze %dma_start3A_90 : memref<1x128xi32, #tpu.memory_space<vmem>> -> memref<128xi32, #tpu.memory_space<vmem>>
        %dma_start3A_92 = arith.constant 0 : i32
        %dma_start3A_93 = arith.constant 0 : i32
        %dma_start3A_94 = tpu.memref_slice %arg4[%dma_start3A_92, %dma_start3A_93] : memref<10000x128xf32, #tpu.memory_space<hbm>> -> memref<10000x128xf32, #tpu.memory_space<hbm>>
        tpu.enqueue_indirect_dma source(%dma_start3A_94 : memref<10000x128xf32, #tpu.memory_space<hbm>>) target(%arg9 : memref<128x128xf32, #tpu.memory_space<vmem>>) offsets(%dma_start3A_91 : memref<128xi32, #tpu.memory_space<vmem>>) semaphore(%arg12 : memref<!tpu.dma_semaphore, #tpu.memory_space<semaphore_mem>>)
      } else {
      }
      %dma_wait3A_73 = arith.constant 0 : i32
      %dma_wait3A_74 = arith.constant 0 : i32
      %dma_wait3A_75 = tpu.memref_slice %arg7[%dma_wait3A_73, %dma_wait3A_74] : memref<64x128xi32, #tpu.memory_space<vmem>> -> memref<1x128xi32, #tpu.memory_space<vmem>>
      %dma_wait3A_76 = tpu.memref_squeeze %dma_wait3A_75 : memref<1x128xi32, #tpu.memory_space<vmem>> -> memref<128xi32, #tpu.memory_space<vmem>>
      %dma_wait3A_77 = arith.constant 0 : i32
      %dma_wait3A_78 = arith.constant 0 : i32
      %dma_wait3A_79 = tpu.memref_slice %arg4[%dma_wait3A_77, %dma_wait3A_78] : memref<10000x128xf32, #tpu.memory_space<hbm>> -> memref<10000x128xf32, #tpu.memory_space<hbm>>
      tpu.wait_indirect_dma semaphore(%arg13 : memref<!tpu.dma_semaphore, #tpu.memory_space<semaphore_mem>>) src(%dma_wait3A_79 : memref<10000x128xf32, #tpu.memory_space<hbm>>) dst(%arg10 : memref<128x128xf32, #tpu.memory_space<vmem>>)
      "tpu.region"() ({
        %run_scoped3A = tpu.sem_alloc : memref<!tpu.dma_semaphore, #tpu.memory_space<semaphore_mem>>
        %dma_start3A_87 = arith.constant 0 : i32
        %dma_start3A_88 = tpu.memref_slice %arg8[%add3A_60, %dma_start3A_87] : memref<64x128xi32, #tpu.memory_space<vmem>> -> memref<1x128xi32, #tpu.memory_space<vmem>>
        %dma_start3A_89 = tpu.memref_squeeze %dma_start3A_88 : memref<1x128xi32, #tpu.memory_space<vmem>> -> memref<128xi32, #tpu.memory_space<vmem>>
        %dma_start3A_90 = arith.constant 0 : i32
        %dma_start3A_91 = arith.constant 0 : i32
        %dma_start3A_92 = tpu.memref_slice %arg11[%dma_start3A_90, %dma_start3A_91] : memref<10064x128xf32, #tpu.memory_space<vmem_shared>> -> memref<10064x128xf32, #tpu.memory_space<vmem_shared>>
        tpu.enqueue_indirect_dma source(%arg10 : memref<128x128xf32, #tpu.memory_space<vmem>>) target(%dma_start3A_92 : memref<10064x128xf32, #tpu.memory_space<vmem_shared>>) offsets(%dma_start3A_89 : memref<128xi32, #tpu.memory_space<vmem>>) semaphore(%run_scoped3A : memref<!tpu.dma_semaphore, #tpu.memory_space<semaphore_mem>>) {add = true}
        %dma_wait3A_93 = arith.constant 0 : i32
        %dma_wait3A_94 = tpu.memref_slice %arg8[%add3A_60, %dma_wait3A_93] : memref<64x128xi32, #tpu.memory_space<vmem>> -> memref<1x128xi32, #tpu.memory_space<vmem>>
        %dma_wait3A_95 = tpu.memref_squeeze %dma_wait3A_94 : memref<1x128xi32, #tpu.memory_space<vmem>> -> memref<128xi32, #tpu.memory_space<vmem>>
        %dma_wait3A_96 = arith.constant 0 : i32
        %dma_wait3A_97 = arith.constant 0 : i32
        %dma_wait3A_98 = tpu.memref_slice %arg11[%dma_wait3A_96, %dma_wait3A_97] : memref<10064x128xf32, #tpu.memory_space<vmem_shared>> -> memref<10064x128xf32, #tpu.memory_space<vmem_shared>>
        tpu.wait_indirect_dma semaphore(%run_scoped3A : memref<!tpu.dma_semaphore, #tpu.memory_space<semaphore_mem>>) src(%arg10 : memref<128x128xf32, #tpu.memory_space<vmem>>) dst(%dma_wait3A_98 : memref<10064x128xf32, #tpu.memory_space<vmem_shared>>)
        tpu.yield
      }) : () -> ()
      %add3A_80 = arith.constant 2 : i32
      %add3A_81 = arith.addi %add3A_60, %add3A_80 : i32
      %lt3A_82 = arith.constant 16 : i32
      %lt3A_83 = arith.cmpi slt, %add3A_81, %lt3A_82 : i32
      %convert_element_type3A_84 = arith.extui %lt3A_83 : i1 to i32
      %cond3A_85 = arith.constant 0 : i32
      %cond3A_86 = arith.cmpi ne, %convert_element_type3A_84, %cond3A_85 : i32
      scf.if %cond3A_86 {
        %add3A_87 = arith.constant 2 : i32
        %add3A_88 = arith.addi %add3A_60, %add3A_87 : i32
        %dma_start3A_89 = arith.constant 0 : i32
        %dma_start3A_90 = tpu.memref_slice %arg7[%add3A_88, %dma_start3A_89] : memref<64x128xi32, #tpu.memory_space<vmem>> -> memref<1x128xi32, #tpu.memory_space<vmem>>
        %dma_start3A_91 = tpu.memref_squeeze %dma_start3A_90 : memref<1x128xi32, #tpu.memory_space<vmem>> -> memref<128xi32, #tpu.memory_space<vmem>>
        %dma_start3A_92 = arith.constant 0 : i32
        %dma_start3A_93 = arith.constant 0 : i32
        %dma_start3A_94 = tpu.memref_slice %arg4[%dma_start3A_92, %dma_start3A_93] : memref<10000x128xf32, #tpu.memory_space<hbm>> -> memref<10000x128xf32, #tpu.memory_space<hbm>>
        tpu.enqueue_indirect_dma source(%dma_start3A_94 : memref<10000x128xf32, #tpu.memory_space<hbm>>) target(%arg10 : memref<128x128xf32, #tpu.memory_space<vmem>>) offsets(%dma_start3A_91 : memref<128xi32, #tpu.memory_space<vmem>>) semaphore(%arg13 : memref<!tpu.dma_semaphore, #tpu.memory_space<semaphore_mem>>)
      } else {
      }
    }
    %scan3A_45 = arith.constant 8 : i32
    %barrier3A_46 = arith.constant 0 : index
    tpu.barrier barrier_id(%barrier3A_46)
    %mul3A_47 = arith.constant 624 : i32
    %mul3A_48 = arith.muli %arg1, %mul3A_47 : i32
    %mul3A_49 = arith.constant 624 : i32
    %mul3A_50 = arith.muli %arg1, %mul3A_49 : i32
    "tpu.region"() ({
      %run_scoped3A = tpu.sem_alloc : memref<!tpu.dma_semaphore, #tpu.memory_space<semaphore_mem>>
      %dma_start3A_56 = arith.constant 0 : i32
      %dma_start3A_57 = tpu.memref_slice %arg6[%arg0, %mul3A_50, %dma_start3A_56] : memref<2x10000x128xf32, #tpu.memory_space<hbm>> -> memref<1x624x128xf32, #tpu.memory_space<hbm>>
      %dma_start3A_58 = tpu.memref_squeeze %dma_start3A_57 : memref<1x624x128xf32, #tpu.memory_space<hbm>> -> memref<624x128xf32, #tpu.memory_space<hbm>>
      %dma_start3A_59 = arith.constant 0 : i32
      %dma_start3A_60 = tpu.memref_slice %arg11[%mul3A_48, %dma_start3A_59] : memref<10064x128xf32, #tpu.memory_space<vmem_shared>> -> memref<624x128xf32, #tpu.memory_space<vmem_shared>>
      tpu.enqueue_dma source(%dma_start3A_60 : memref<624x128xf32, #tpu.memory_space<vmem_shared>>) target(%dma_start3A_58 : memref<624x128xf32, #tpu.memory_space<hbm>>) target_semaphore(%run_scoped3A : memref<!tpu.dma_semaphore, #tpu.memory_space<semaphore_mem>>)
      %dma_wait3A = arith.constant 0 : i32
      %dma_wait3A_61 = tpu.memref_slice %arg6[%arg0, %mul3A_50, %dma_wait3A] : memref<2x10000x128xf32, #tpu.memory_space<hbm>> -> memref<1x624x128xf32, #tpu.memory_space<hbm>>
      %dma_wait3A_62 = tpu.memref_squeeze %dma_wait3A_61 : memref<1x624x128xf32, #tpu.memory_space<hbm>> -> memref<624x128xf32, #tpu.memory_space<hbm>>
      %dma_wait3A_63 = arith.constant 0 : i32
      %dma_wait3A_64 = tpu.memref_slice %arg11[%mul3A_48, %dma_wait3A_63] : memref<10064x128xf32, #tpu.memory_space<vmem_shared>> -> memref<624x128xf32, #tpu.memory_space<vmem_shared>>
      tpu.wait_dma2 semaphore(%run_scoped3A : memref<!tpu.dma_semaphore, #tpu.memory_space<semaphore_mem>>) src(%dma_wait3A_64 : memref<624x128xf32, #tpu.memory_space<vmem_shared>>) dst(%dma_wait3A_62 : memref<624x128xf32, #tpu.memory_space<hbm>>)
      tpu.yield
    }) : () -> ()
    %eq3A_51 = arith.constant 15 : i32
    %eq3A_52 = arith.cmpi eq, %arg1, %eq3A_51 : i32
    %convert_element_type3A_53 = arith.extui %eq3A_52 : i1 to i32
    %cond3A_54 = arith.constant 0 : i32
    %cond3A_55 = arith.cmpi ne, %convert_element_type3A_53, %cond3A_54 : i32
    scf.if %cond3A_55 {
      "tpu.region"() ({
        %run_scoped3A = tpu.sem_alloc : memref<!tpu.dma_semaphore, #tpu.memory_space<semaphore_mem>>
        %dma_start3A_56 = arith.constant 9984 : i32
        %dma_start3A_57 = arith.constant 0 : i32
        %dma_start3A_58 = tpu.memref_slice %arg6[%arg0, %dma_start3A_56, %dma_start3A_57] : memref<2x10000x128xf32, #tpu.memory_space<hbm>> -> memref<1x16x128xf32, #tpu.memory_space<hbm>>
        %dma_start3A_59 = tpu.memref_squeeze %dma_start3A_58 : memref<1x16x128xf32, #tpu.memory_space<hbm>> -> memref<16x128xf32, #tpu.memory_space<hbm>>
        %dma_start3A_60 = arith.constant 9984 : i32
        %dma_start3A_61 = arith.constant 0 : i32
        %dma_start3A_62 = tpu.memref_slice %arg11[%dma_start3A_60, %dma_start3A_61] : memref<10064x128xf32, #tpu.memory_space<vmem_shared>> -> memref<16x128xf32, #tpu.memory_space<vmem_shared>>
        tpu.enqueue_dma source(%dma_start3A_62 : memref<16x128xf32, #tpu.memory_space<vmem_shared>>) target(%dma_start3A_59 : memref<16x128xf32, #tpu.memory_space<hbm>>) target_semaphore(%run_scoped3A : memref<!tpu.dma_semaphore, #tpu.memory_space<semaphore_mem>>)
        %dma_wait3A = arith.constant 9984 : i32
        %dma_wait3A_63 = arith.constant 0 : i32
        %dma_wait3A_64 = tpu.memref_slice %arg6[%arg0, %dma_wait3A, %dma_wait3A_63] : memref<2x10000x128xf32, #tpu.memory_space<hbm>> -> memref<1x16x128xf32, #tpu.memory_space<hbm>>
        %dma_wait3A_65 = tpu.memref_squeeze %dma_wait3A_64 : memref<1x16x128xf32, #tpu.memory_space<hbm>> -> memref<16x128xf32, #tpu.memory_space<hbm>>
        %dma_wait3A_66 = arith.constant 9984 : i32
        %dma_wait3A_67 = arith.constant 0 : i32
        %dma_wait3A_68 = tpu.memref_slice %arg11[%dma_wait3A_66, %dma_wait3A_67] : memref<10064x128xf32, #tpu.memory_space<vmem_shared>> -> memref<16x128xf32, #tpu.memory_space<vmem_shared>>
        tpu.wait_dma2 semaphore(%run_scoped3A : memref<!tpu.dma_semaphore, #tpu.memory_space<semaphore_mem>>) src(%dma_wait3A_68 : memref<16x128xf32, #tpu.memory_space<vmem_shared>>) dst(%dma_wait3A_65 : memref<16x128xf32, #tpu.memory_space<hbm>>)
        tpu.yield
      }) : () -> ()
    } else {
    }
    return
  }
}

#map = affine_map<(d0, d1) -> (0, 0, 0)>
#map1 = affine_map<(d0, d1) -> (0)>
#map2 = affine_map<(d0, d1) -> (0, 0)>
module attributes {stable_mosaic.version = 14 : i64} {
  func.func @_deg_body(%arg0: i32, %arg1: i32, %arg2: memref<2500x2x128xi32, #tpu.memory_space<hbm>>, %arg3: memref<10064xf32, #tpu.memory_space<hbm>>, %arg4: memref<2x10064xf32, #tpu.memory_space<hbm>>, %arg5: memref<26x2x128xi32, #tpu.memory_space<vmem>>, %arg6: memref<128xf32, #tpu.memory_space<vmem>>, %arg7: memref<10064xf32, #tpu.memory_space<vmem_shared>>) attributes {dimension_semantics = [#tpu.dimension_semantics<core_parallel>, #tpu.dimension_semantics<subcore_parallel>], iteration_bounds = array<i64: 2, 16>, scalar_prefetch = 0 : i64, scratch_operands = 3 : i64, tpu.core_type = #tpu.core_type<sc_vector_subcore>, window_params = [{transform_indices = #map}, {transform_indices = #map1}, {transform_indices = #map2}]} {
    %mul3A = arith.constant 16 : i32
    %mul3A_0 = arith.muli %arg0, %mul3A : i32
    %add3A = arith.addi %mul3A_0, %arg1 : i32
    %broadcast_in_dim3A = arith.constant 1.000000e+00 : f32
    %broadcast_in_dim3A_1 = vector.broadcast %broadcast_in_dim3A : f32 to vector<16xf32>
    %swap3A = arith.constant 0 : index
    %swap3A_2 = tpu.vector_load %arg6[%swap3A] {strides = array<i32>} : memref<128xf32, #tpu.memory_space<vmem>>, vector<16xf32>,
    %swap3A_3 = vector.shape_cast %swap3A_2 : vector<16xf32> to vector<16xf32>
    %swap3A_4 = vector.shape_cast %broadcast_in_dim3A_1 : vector<16xf32> to vector<16xf32>
    tpu.vector_store %arg6[%swap3A], %swap3A_4 {strides = array<i32>} : memref<128xf32, #tpu.memory_space<vmem>>, vector<16xf32>,
    %broadcast_in_dim3A_5 = arith.constant 1.000000e+00 : f32
    %broadcast_in_dim3A_6 = vector.broadcast %broadcast_in_dim3A_5 : f32 to vector<16xf32>
    %swap3A_7 = arith.constant 16 : index
    %swap3A_8 = tpu.vector_load %arg6[%swap3A_7] {strides = array<i32>} : memref<128xf32, #tpu.memory_space<vmem>>, vector<16xf32>,
    %swap3A_9 = vector.shape_cast %swap3A_8 : vector<16xf32> to vector<16xf32>
    %swap3A_10 = vector.shape_cast %broadcast_in_dim3A_6 : vector<16xf32> to vector<16xf32>
    tpu.vector_store %arg6[%swap3A_7], %swap3A_10 {strides = array<i32>} : memref<128xf32, #tpu.memory_space<vmem>>, vector<16xf32>,
    %broadcast_in_dim3A_11 = arith.constant 1.000000e+00 : f32
    %broadcast_in_dim3A_12 = vector.broadcast %broadcast_in_dim3A_11 : f32 to vector<16xf32>
    %swap3A_13 = arith.constant 32 : index
    %swap3A_14 = tpu.vector_load %arg6[%swap3A_13] {strides = array<i32>} : memref<128xf32, #tpu.memory_space<vmem>>, vector<16xf32>,
    %swap3A_15 = vector.shape_cast %swap3A_14 : vector<16xf32> to vector<16xf32>
    %swap3A_16 = vector.shape_cast %broadcast_in_dim3A_12 : vector<16xf32> to vector<16xf32>
    tpu.vector_store %arg6[%swap3A_13], %swap3A_16 {strides = array<i32>} : memref<128xf32, #tpu.memory_space<vmem>>, vector<16xf32>,
    %broadcast_in_dim3A_17 = arith.constant 1.000000e+00 : f32
    %broadcast_in_dim3A_18 = vector.broadcast %broadcast_in_dim3A_17 : f32 to vector<16xf32>
    %swap3A_19 = arith.constant 48 : index
    %swap3A_20 = tpu.vector_load %arg6[%swap3A_19] {strides = array<i32>} : memref<128xf32, #tpu.memory_space<vmem>>, vector<16xf32>,
    %swap3A_21 = vector.shape_cast %swap3A_20 : vector<16xf32> to vector<16xf32>
    %swap3A_22 = vector.shape_cast %broadcast_in_dim3A_18 : vector<16xf32> to vector<16xf32>
    tpu.vector_store %arg6[%swap3A_19], %swap3A_22 {strides = array<i32>} : memref<128xf32, #tpu.memory_space<vmem>>, vector<16xf32>,
    %broadcast_in_dim3A_23 = arith.constant 1.000000e+00 : f32
    %broadcast_in_dim3A_24 = vector.broadcast %broadcast_in_dim3A_23 : f32 to vector<16xf32>
    %swap3A_25 = arith.constant 64 : index
    %swap3A_26 = tpu.vector_load %arg6[%swap3A_25] {strides = array<i32>} : memref<128xf32, #tpu.memory_space<vmem>>, vector<16xf32>,
    %swap3A_27 = vector.shape_cast %swap3A_26 : vector<16xf32> to vector<16xf32>
    %swap3A_28 = vector.shape_cast %broadcast_in_dim3A_24 : vector<16xf32> to vector<16xf32>
    tpu.vector_store %arg6[%swap3A_25], %swap3A_28 {strides = array<i32>} : memref<128xf32, #tpu.memory_space<vmem>>, vector<16xf32>,
    %broadcast_in_dim3A_29 = arith.constant 1.000000e+00 : f32
    %broadcast_in_dim3A_30 = vector.broadcast %broadcast_in_dim3A_29 : f32 to vector<16xf32>
    %swap3A_31 = arith.constant 80 : index
    %swap3A_32 = tpu.vector_load %arg6[%swap3A_31] {strides = array<i32>} : memref<128xf32, #tpu.memory_space<vmem>>, vector<16xf32>,
    %swap3A_33 = vector.shape_cast %swap3A_32 : vector<16xf32> to vector<16xf32>
    %swap3A_34 = vector.shape_cast %broadcast_in_dim3A_30 : vector<16xf32> to vector<16xf32>
    tpu.vector_store %arg6[%swap3A_31], %swap3A_34 {strides = array<i32>} : memref<128xf32, #tpu.memory_space<vmem>>, vector<16xf32>,
    %broadcast_in_dim3A_35 = arith.constant 1.000000e+00 : f32
    %broadcast_in_dim3A_36 = vector.broadcast %broadcast_in_dim3A_35 : f32 to vector<16xf32>
    %swap3A_37 = arith.constant 96 : index
    %swap3A_38 = tpu.vector_load %arg6[%swap3A_37] {strides = array<i32>} : memref<128xf32, #tpu.memory_space<vmem>>, vector<16xf32>,
    %swap3A_39 = vector.shape_cast %swap3A_38 : vector<16xf32> to vector<16xf32>
    %swap3A_40 = vector.shape_cast %broadcast_in_dim3A_36 : vector<16xf32> to vector<16xf32>
    tpu.vector_store %arg6[%swap3A_37], %swap3A_40 {strides = array<i32>} : memref<128xf32, #tpu.memory_space<vmem>>, vector<16xf32>,
    %broadcast_in_dim3A_41 = arith.constant 1.000000e+00 : f32
    %broadcast_in_dim3A_42 = vector.broadcast %broadcast_in_dim3A_41 : f32 to vector<16xf32>
    %swap3A_43 = arith.constant 112 : index
    %swap3A_44 = tpu.vector_load %arg6[%swap3A_43] {strides = array<i32>} : memref<128xf32, #tpu.memory_space<vmem>>, vector<16xf32>,
    %swap3A_45 = vector.shape_cast %swap3A_44 : vector<16xf32> to vector<16xf32>
    %swap3A_46 = vector.shape_cast %broadcast_in_dim3A_42 : vector<16xf32> to vector<16xf32>
    tpu.vector_store %arg6[%swap3A_43], %swap3A_46 {strides = array<i32>} : memref<128xf32, #tpu.memory_space<vmem>>, vector<16xf32>,
    %eq3A = arith.constant 0 : i32
    %eq3A_47 = arith.cmpi eq, %arg1, %eq3A : i32
    %convert_element_type3A = arith.extui %eq3A_47 : i1 to i32
    %cond3A = arith.constant 0 : i32
    %cond3A_48 = arith.cmpi ne, %convert_element_type3A, %cond3A : i32
    scf.if %cond3A_48 {
      "tpu.region"() ({
        %run_scoped3A = tpu.sem_alloc : memref<!tpu.dma_semaphore, #tpu.memory_space<semaphore_mem>>
        tpu.enqueue_dma source(%arg3 : memref<10064xf32, #tpu.memory_space<hbm>>) target(%arg7 : memref<10064xf32, #tpu.memory_space<vmem_shared>>) target_semaphore(%run_scoped3A : memref<!tpu.dma_semaphore, #tpu.memory_space<semaphore_mem>>)
        tpu.wait_dma2 semaphore(%run_scoped3A : memref<!tpu.dma_semaphore, #tpu.memory_space<semaphore_mem>>) src(%arg3 : memref<10064xf32, #tpu.memory_space<hbm>>) dst(%arg7 : memref<10064xf32, #tpu.memory_space<vmem_shared>>)
        tpu.yield
      }) : () -> ()
    } else {
    }
    %barrier3A = arith.constant 0 : index
    tpu.barrier barrier_id(%barrier3A)
    %mul3A_49 = arith.constant 78 : i32
    %mul3A_50 = arith.muli %mul3A_49, %add3A : i32
    %min3A = arith.constant 4 : i32
    %min3A_51 = arith.minsi %add3A, %min3A : i32
    %add3A_52 = arith.addi %mul3A_50, %min3A_51 : i32
    %lt3A = arith.constant 4 : i32
    %lt3A_53 = arith.cmpi slt, %add3A, %lt3A : i32
    %jit3A = arith.constant 1 : i32
    %jit3A_54 = arith.constant 0 : i32
    %select_n3A = arith.select %lt3A_53, %jit3A, %jit3A_54 : i32
    %add3A_55 = arith.constant 78 : i32
    %add3A_56 = arith.addi %add3A_55, %select_n3A : i32
    %sub3A = arith.constant 0 : i32
    %sub3A_57 = arith.subi %add3A_56, %sub3A : i32
    %jit3A_58 = arith.constant 0 : i32
    %jit3A_59 = arith.constant 26 : i32
    %max3A = arith.maxsi %jit3A_58, %sub3A_57 : i32
    %min3A_60 = arith.minsi %jit3A_59, %max3A : i32
    %gt3A = arith.constant 0 : i32
    %gt3A_61 = arith.cmpi sgt, %min3A_60, %gt3A : i32
    %convert_element_type3A_62 = arith.extui %gt3A_61 : i1 to i32
    %cond3A_63 = arith.constant 0 : i32
    %cond3A_64 = arith.cmpi ne, %convert_element_type3A_62, %cond3A_63 : i32
    scf.if %cond3A_64 {
      %add3A_104 = arith.constant 0 : i32
      %add3A_105 = arith.addi %add3A_52, %add3A_104 : i32
      "tpu.region"() ({
        %run_scoped3A = tpu.sem_alloc : memref<!tpu.dma_semaphore, #tpu.memory_space<semaphore_mem>>
        %dma_start3A = arith.constant 0 : i32
        %dma_start3A_115 = arith.constant 0 : i32
        %dma_start3A_116 = tpu.memref_slice %arg2[%add3A_105, %dma_start3A, %dma_start3A_115] : memref<2500x2x128xi32, #tpu.memory_space<hbm>> -> memref<26x2x128xi32, #tpu.memory_space<hbm>>
        %dma_start3A_117 = arith.constant 0 : i32
        %dma_start3A_118 = arith.constant 0 : i32
        %dma_start3A_119 = tpu.memref_slice %arg2[%add3A_105, %dma_start3A_117, %dma_start3A_118] : memref<2500x2x128xi32, #tpu.memory_space<hbm>> -> memref<26x2x128xi32, #tpu.memory_space<hbm>>
        tpu.enqueue_dma source(%dma_start3A_119 : memref<26x2x128xi32, #tpu.memory_space<hbm>>) target(%arg5 : memref<26x2x128xi32, #tpu.memory_space<vmem>>) target_semaphore(%run_scoped3A : memref<!tpu.dma_semaphore, #tpu.memory_space<semaphore_mem>>)
        %dma_wait3A = arith.constant 0 : i32
        %dma_wait3A_120 = arith.constant 0 : i32
        %dma_wait3A_121 = tpu.memref_slice %arg2[%add3A_105, %dma_wait3A, %dma_wait3A_120] : memref<2500x2x128xi32, #tpu.memory_space<hbm>> -> memref<26x2x128xi32, #tpu.memory_space<hbm>>
        %dma_wait3A_122 = arith.constant 0 : i32
        %dma_wait3A_123 = arith.constant 0 : i32
        %dma_wait3A_124 = tpu.memref_slice %arg2[%add3A_105, %dma_wait3A_122, %dma_wait3A_123] : memref<2500x2x128xi32, #tpu.memory_space<hbm>> -> memref<26x2x128xi32, #tpu.memory_space<hbm>>
        tpu.wait_dma2 semaphore(%run_scoped3A : memref<!tpu.dma_semaphore, #tpu.memory_space<semaphore_mem>>) src(%dma_wait3A_124 : memref<26x2x128xi32, #tpu.memory_space<hbm>>) dst(%arg5 : memref<26x2x128xi32, #tpu.memory_space<vmem>>)
        tpu.yield
      }) : () -> ()
      %while3A = arith.constant 0 : i32
      %while3A_106 = arith.constant 0 : i32
      %while3A_107 = arith.subi %min3A_60, %while3A_106 : i32
      %while3A_108 = arith.addi %while3A_106, %while3A_107 : i32
      %while3A_109 = arith.constant 1 : i32
      %while3A_110 = arith.divsi %while3A_107, %while3A_109 : i32
      %while3A_111 = arith.muli %while3A_110, %while3A_109 : i32
      %while3A_112 = arith.addi %while3A_106, %while3A_111 : i32
      %while3A_113 = arith.constant 1 : i32
      scf.for %while3A_115 = %while3A_106 to %while3A_112 step %while3A_113  : i32 {
        %run_scoped3A = arith.constant 1 : i32
        "tpu.region"() ({
          %run_scoped3A_116 = tpu.sem_alloc : memref<!tpu.dma_semaphore, #tpu.memory_space<semaphore_mem>>
          %dma_start3A = arith.constant 0 : i32
          %dma_start3A_117 = tpu.memref_slice %arg5[%while3A_115, %run_scoped3A, %dma_start3A] : memref<26x2x128xi32, #tpu.memory_space<vmem>> -> memref<1x1x128xi32, #tpu.memory_space<vmem>>
          %dma_start3A_118 = tpu.memref_squeeze %dma_start3A_117 : memref<1x1x128xi32, #tpu.memory_space<vmem>> -> memref<128xi32, #tpu.memory_space<vmem>>
          %dma_start3A_119 = arith.constant 0 : i32
          %dma_start3A_120 = tpu.memref_slice %arg7[%dma_start3A_119] : memref<10064xf32, #tpu.memory_space<vmem_shared>> -> memref<10064xf32, #tpu.memory_space<vmem_shared>>
          tpu.enqueue_indirect_dma source(%arg6 : memref<128xf32, #tpu.memory_space<vmem>>) target(%dma_start3A_120 : memref<10064xf32, #tpu.memory_space<vmem_shared>>) offsets(%dma_start3A_118 : memref<128xi32, #tpu.memory_space<vmem>>) semaphore(%run_scoped3A_116 : memref<!tpu.dma_semaphore, #tpu.memory_space<semaphore_mem>>) {add = true}
          %dma_wait3A = arith.constant 0 : i32
          %dma_wait3A_121 = tpu.memref_slice %arg5[%while3A_115, %run_scoped3A, %dma_wait3A] : memref<26x2x128xi32, #tpu.memory_space<vmem>> -> memref<1x1x128xi32, #tpu.memory_space<vmem>>
          %dma_wait3A_122 = tpu.memref_squeeze %dma_wait3A_121 : memref<1x1x128xi32, #tpu.memory_space<vmem>> -> memref<128xi32, #tpu.memory_space<vmem>>
          %dma_wait3A_123 = arith.constant 0 : i32
          %dma_wait3A_124 = tpu.memref_slice %arg7[%dma_wait3A_123] : memref<10064xf32, #tpu.memory_space<vmem_shared>> -> memref<10064xf32, #tpu.memory_space<vmem_shared>>
          tpu.wait_indirect_dma semaphore(%run_scoped3A_116 : memref<!tpu.dma_semaphore, #tpu.memory_space<semaphore_mem>>) src(%arg6 : memref<128xf32, #tpu.memory_space<vmem>>) dst(%dma_wait3A_124 : memref<10064xf32, #tpu.memory_space<vmem_shared>>)
          tpu.yield
        }) : () -> ()
      }
      %while3A_114 = arith.constant 1 : i32
      scf.for %while3A_115 = %while3A_112 to %while3A_108 step %while3A_114  : i32 {
        %run_scoped3A = arith.constant 1 : i32
        "tpu.region"() ({
          %run_scoped3A_116 = tpu.sem_alloc : memref<!tpu.dma_semaphore, #tpu.memory_space<semaphore_mem>>
          %dma_start3A = arith.constant 0 : i32
          %dma_start3A_117 = tpu.memref_slice %arg5[%while3A_115, %run_scoped3A, %dma_start3A] : memref<26x2x128xi32, #tpu.memory_space<vmem>> -> memref<1x1x128xi32, #tpu.memory_space<vmem>>
          %dma_start3A_118 = tpu.memref_squeeze %dma_start3A_117 : memref<1x1x128xi32, #tpu.memory_space<vmem>> -> memref<128xi32, #tpu.memory_space<vmem>>
          %dma_start3A_119 = arith.constant 0 : i32
          %dma_start3A_120 = tpu.memref_slice %arg7[%dma_start3A_119] : memref<10064xf32, #tpu.memory_space<vmem_shared>> -> memref<10064xf32, #tpu.memory_space<vmem_shared>>
          tpu.enqueue_indirect_dma source(%arg6 : memref<128xf32, #tpu.memory_space<vmem>>) target(%dma_start3A_120 : memref<10064xf32, #tpu.memory_space<vmem_shared>>) offsets(%dma_start3A_118 : memref<128xi32, #tpu.memory_space<vmem>>) semaphore(%run_scoped3A_116 : memref<!tpu.dma_semaphore, #tpu.memory_space<semaphore_mem>>) {add = true}
          %dma_wait3A = arith.constant 0 : i32
          %dma_wait3A_121 = tpu.memref_slice %arg5[%while3A_115, %run_scoped3A, %dma_wait3A] : memref<26x2x128xi32, #tpu.memory_space<vmem>> -> memref<1x1x128xi32, #tpu.memory_space<vmem>>
          %dma_wait3A_122 = tpu.memref_squeeze %dma_wait3A_121 : memref<1x1x128xi32, #tpu.memory_space<vmem>> -> memref<128xi32, #tpu.memory_space<vmem>>
          %dma_wait3A_123 = arith.constant 0 : i32
          %dma_wait3A_124 = tpu.memref_slice %arg7[%dma_wait3A_123] : memref<10064xf32, #tpu.memory_space<vmem_shared>> -> memref<10064xf32, #tpu.memory_space<vmem_shared>>
          tpu.wait_indirect_dma semaphore(%run_scoped3A_116 : memref<!tpu.dma_semaphore, #tpu.memory_space<semaphore_mem>>) src(%arg6 : memref<128xf32, #tpu.memory_space<vmem>>) dst(%dma_wait3A_124 : memref<10064xf32, #tpu.memory_space<vmem_shared>>)
          tpu.yield
        }) : () -> ()
      }
    } else {
    }
    %sub3A_65 = arith.constant 26 : i32
    %sub3A_66 = arith.subi %add3A_56, %sub3A_65 : i32
    %jit3A_67 = arith.constant 0 : i32
    %jit3A_68 = arith.constant 26 : i32
    %max3A_69 = arith.maxsi %jit3A_67, %sub3A_66 : i32
    %min3A_70 = arith.minsi %jit3A_68, %max3A_69 : i32
    %gt3A_71 = arith.constant 0 : i32
    %gt3A_72 = arith.cmpi sgt, %min3A_70, %gt3A_71 : i32
    %convert_element_type3A_73 = arith.extui %gt3A_72 : i1 to i32
    %cond3A_74 = arith.constant 0 : i32
    %cond3A_75 = arith.cmpi ne, %convert_element_type3A_73, %cond3A_74 : i32
    scf.if %cond3A_75 {
      %add3A_104 = arith.constant 26 : i32
      %add3A_105 = arith.addi %add3A_52, %add3A_104 : i32
      "tpu.region"() ({
        %run_scoped3A = tpu.sem_alloc : memref<!tpu.dma_semaphore, #tpu.memory_space<semaphore_mem>>
        %dma_start3A = arith.constant 0 : i32
        %dma_start3A_115 = arith.constant 0 : i32
        %dma_start3A_116 = tpu.memref_slice %arg2[%add3A_105, %dma_start3A, %dma_start3A_115] : memref<2500x2x128xi32, #tpu.memory_space<hbm>> -> memref<26x2x128xi32, #tpu.memory_space<hbm>>
        %dma_start3A_117 = arith.constant 0 : i32
        %dma_start3A_118 = arith.constant 0 : i32
        %dma_start3A_119 = tpu.memref_slice %arg2[%add3A_105, %dma_start3A_117, %dma_start3A_118] : memref<2500x2x128xi32, #tpu.memory_space<hbm>> -> memref<26x2x128xi32, #tpu.memory_space<hbm>>
        tpu.enqueue_dma source(%dma_start3A_119 : memref<26x2x128xi32, #tpu.memory_space<hbm>>) target(%arg5 : memref<26x2x128xi32, #tpu.memory_space<vmem>>) target_semaphore(%run_scoped3A : memref<!tpu.dma_semaphore, #tpu.memory_space<semaphore_mem>>)
        %dma_wait3A = arith.constant 0 : i32
        %dma_wait3A_120 = arith.constant 0 : i32
        %dma_wait3A_121 = tpu.memref_slice %arg2[%add3A_105, %dma_wait3A, %dma_wait3A_120] : memref<2500x2x128xi32, #tpu.memory_space<hbm>> -> memref<26x2x128xi32, #tpu.memory_space<hbm>>
        %dma_wait3A_122 = arith.constant 0 : i32
        %dma_wait3A_123 = arith.constant 0 : i32
        %dma_wait3A_124 = tpu.memref_slice %arg2[%add3A_105, %dma_wait3A_122, %dma_wait3A_123] : memref<2500x2x128xi32, #tpu.memory_space<hbm>> -> memref<26x2x128xi32, #tpu.memory_space<hbm>>
        tpu.wait_dma2 semaphore(%run_scoped3A : memref<!tpu.dma_semaphore, #tpu.memory_space<semaphore_mem>>) src(%dma_wait3A_124 : memref<26x2x128xi32, #tpu.memory_space<hbm>>) dst(%arg5 : memref<26x2x128xi32, #tpu.memory_space<vmem>>)
        tpu.yield
      }) : () -> ()
      %while3A = arith.constant 0 : i32
      %while3A_106 = arith.constant 0 : i32
      %while3A_107 = arith.subi %min3A_70, %while3A_106 : i32
      %while3A_108 = arith.addi %while3A_106, %while3A_107 : i32
      %while3A_109 = arith.constant 1 : i32
      %while3A_110 = arith.divsi %while3A_107, %while3A_109 : i32
      %while3A_111 = arith.muli %while3A_110, %while3A_109 : i32
      %while3A_112 = arith.addi %while3A_106, %while3A_111 : i32
      %while3A_113 = arith.constant 1 : i32
      scf.for %while3A_115 = %while3A_106 to %while3A_112 step %while3A_113  : i32 {
        %run_scoped3A = arith.constant 1 : i32
        "tpu.region"() ({
          %run_scoped3A_116 = tpu.sem_alloc : memref<!tpu.dma_semaphore, #tpu.memory_space<semaphore_mem>>
          %dma_start3A = arith.constant 0 : i32
          %dma_start3A_117 = tpu.memref_slice %arg5[%while3A_115, %run_scoped3A, %dma_start3A] : memref<26x2x128xi32, #tpu.memory_space<vmem>> -> memref<1x1x128xi32, #tpu.memory_space<vmem>>
          %dma_start3A_118 = tpu.memref_squeeze %dma_start3A_117 : memref<1x1x128xi32, #tpu.memory_space<vmem>> -> memref<128xi32, #tpu.memory_space<vmem>>
          %dma_start3A_119 = arith.constant 0 : i32
          %dma_start3A_120 = tpu.memref_slice %arg7[%dma_start3A_119] : memref<10064xf32, #tpu.memory_space<vmem_shared>> -> memref<10064xf32, #tpu.memory_space<vmem_shared>>
          tpu.enqueue_indirect_dma source(%arg6 : memref<128xf32, #tpu.memory_space<vmem>>) target(%dma_start3A_120 : memref<10064xf32, #tpu.memory_space<vmem_shared>>) offsets(%dma_start3A_118 : memref<128xi32, #tpu.memory_space<vmem>>) semaphore(%run_scoped3A_116 : memref<!tpu.dma_semaphore, #tpu.memory_space<semaphore_mem>>) {add = true}
          %dma_wait3A = arith.constant 0 : i32
          %dma_wait3A_121 = tpu.memref_slice %arg5[%while3A_115, %run_scoped3A, %dma_wait3A] : memref<26x2x128xi32, #tpu.memory_space<vmem>> -> memref<1x1x128xi32, #tpu.memory_space<vmem>>
          %dma_wait3A_122 = tpu.memref_squeeze %dma_wait3A_121 : memref<1x1x128xi32, #tpu.memory_space<vmem>> -> memref<128xi32, #tpu.memory_space<vmem>>
          %dma_wait3A_123 = arith.constant 0 : i32
          %dma_wait3A_124 = tpu.memref_slice %arg7[%dma_wait3A_123] : memref<10064xf32, #tpu.memory_space<vmem_shared>> -> memref<10064xf32, #tpu.memory_space<vmem_shared>>
          tpu.wait_indirect_dma semaphore(%run_scoped3A_116 : memref<!tpu.dma_semaphore, #tpu.memory_space<semaphore_mem>>) src(%arg6 : memref<128xf32, #tpu.memory_space<vmem>>) dst(%dma_wait3A_124 : memref<10064xf32, #tpu.memory_space<vmem_shared>>)
          tpu.yield
        }) : () -> ()
      }
      %while3A_114 = arith.constant 1 : i32
      scf.for %while3A_115 = %while3A_112 to %while3A_108 step %while3A_114  : i32 {
        %run_scoped3A = arith.constant 1 : i32
        "tpu.region"() ({
          %run_scoped3A_116 = tpu.sem_alloc : memref<!tpu.dma_semaphore, #tpu.memory_space<semaphore_mem>>
          %dma_start3A = arith.constant 0 : i32
          %dma_start3A_117 = tpu.memref_slice %arg5[%while3A_115, %run_scoped3A, %dma_start3A] : memref<26x2x128xi32, #tpu.memory_space<vmem>> -> memref<1x1x128xi32, #tpu.memory_space<vmem>>
          %dma_start3A_118 = tpu.memref_squeeze %dma_start3A_117 : memref<1x1x128xi32, #tpu.memory_space<vmem>> -> memref<128xi32, #tpu.memory_space<vmem>>
          %dma_start3A_119 = arith.constant 0 : i32
          %dma_start3A_120 = tpu.memref_slice %arg7[%dma_start3A_119] : memref<10064xf32, #tpu.memory_space<vmem_shared>> -> memref<10064xf32, #tpu.memory_space<vmem_shared>>
          tpu.enqueue_indirect_dma source(%arg6 : memref<128xf32, #tpu.memory_space<vmem>>) target(%dma_start3A_120 : memref<10064xf32, #tpu.memory_space<vmem_shared>>) offsets(%dma_start3A_118 : memref<128xi32, #tpu.memory_space<vmem>>) semaphore(%run_scoped3A_116 : memref<!tpu.dma_semaphore, #tpu.memory_space<semaphore_mem>>) {add = true}
          %dma_wait3A = arith.constant 0 : i32
          %dma_wait3A_121 = tpu.memref_slice %arg5[%while3A_115, %run_scoped3A, %dma_wait3A] : memref<26x2x128xi32, #tpu.memory_space<vmem>> -> memref<1x1x128xi32, #tpu.memory_space<vmem>>
          %dma_wait3A_122 = tpu.memref_squeeze %dma_wait3A_121 : memref<1x1x128xi32, #tpu.memory_space<vmem>> -> memref<128xi32, #tpu.memory_space<vmem>>
          %dma_wait3A_123 = arith.constant 0 : i32
          %dma_wait3A_124 = tpu.memref_slice %arg7[%dma_wait3A_123] : memref<10064xf32, #tpu.memory_space<vmem_shared>> -> memref<10064xf32, #tpu.memory_space<vmem_shared>>
          tpu.wait_indirect_dma semaphore(%run_scoped3A_116 : memref<!tpu.dma_semaphore, #tpu.memory_space<semaphore_mem>>) src(%arg6 : memref<128xf32, #tpu.memory_space<vmem>>) dst(%dma_wait3A_124 : memref<10064xf32, #tpu.memory_space<vmem_shared>>)
          tpu.yield
        }) : () -> ()
      }
    } else {
    }
    %sub3A_76 = arith.constant 52 : i32
    %sub3A_77 = arith.subi %add3A_56, %sub3A_76 : i32
    %jit3A_78 = arith.constant 0 : i32
    %jit3A_79 = arith.constant 26 : i32
    %max3A_80 = arith.maxsi %jit3A_78, %sub3A_77 : i32
    %min3A_81 = arith.minsi %jit3A_79, %max3A_80 : i32
    %gt3A_82 = arith.constant 0 : i32
    %gt3A_83 = arith.cmpi sgt, %min3A_81, %gt3A_82 : i32
    %convert_element_type3A_84 = arith.extui %gt3A_83 : i1 to i32
    %cond3A_85 = arith.constant 0 : i32
    %cond3A_86 = arith.cmpi ne, %convert_element_type3A_84, %cond3A_85 : i32
    scf.if %cond3A_86 {
      %add3A_104 = arith.constant 52 : i32
      %add3A_105 = arith.addi %add3A_52, %add3A_104 : i32
      "tpu.region"() ({
        %run_scoped3A = tpu.sem_alloc : memref<!tpu.dma_semaphore, #tpu.memory_space<semaphore_mem>>
        %dma_start3A = arith.constant 0 : i32
        %dma_start3A_115 = arith.constant 0 : i32
        %dma_start3A_116 = tpu.memref_slice %arg2[%add3A_105, %dma_start3A, %dma_start3A_115] : memref<2500x2x128xi32, #tpu.memory_space<hbm>> -> memref<26x2x128xi32, #tpu.memory_space<hbm>>
        %dma_start3A_117 = arith.constant 0 : i32
        %dma_start3A_118 = arith.constant 0 : i32
        %dma_start3A_119 = tpu.memref_slice %arg2[%add3A_105, %dma_start3A_117, %dma_start3A_118] : memref<2500x2x128xi32, #tpu.memory_space<hbm>> -> memref<26x2x128xi32, #tpu.memory_space<hbm>>
        tpu.enqueue_dma source(%dma_start3A_119 : memref<26x2x128xi32, #tpu.memory_space<hbm>>) target(%arg5 : memref<26x2x128xi32, #tpu.memory_space<vmem>>) target_semaphore(%run_scoped3A : memref<!tpu.dma_semaphore, #tpu.memory_space<semaphore_mem>>)
        %dma_wait3A = arith.constant 0 : i32
        %dma_wait3A_120 = arith.constant 0 : i32
        %dma_wait3A_121 = tpu.memref_slice %arg2[%add3A_105, %dma_wait3A, %dma_wait3A_120] : memref<2500x2x128xi32, #tpu.memory_space<hbm>> -> memref<26x2x128xi32, #tpu.memory_space<hbm>>
        %dma_wait3A_122 = arith.constant 0 : i32
        %dma_wait3A_123 = arith.constant 0 : i32
        %dma_wait3A_124 = tpu.memref_slice %arg2[%add3A_105, %dma_wait3A_122, %dma_wait3A_123] : memref<2500x2x128xi32, #tpu.memory_space<hbm>> -> memref<26x2x128xi32, #tpu.memory_space<hbm>>
        tpu.wait_dma2 semaphore(%run_scoped3A : memref<!tpu.dma_semaphore, #tpu.memory_space<semaphore_mem>>) src(%dma_wait3A_124 : memref<26x2x128xi32, #tpu.memory_space<hbm>>) dst(%arg5 : memref<26x2x128xi32, #tpu.memory_space<vmem>>)
        tpu.yield
      }) : () -> ()
      %while3A = arith.constant 0 : i32
      %while3A_106 = arith.constant 0 : i32
      %while3A_107 = arith.subi %min3A_81, %while3A_106 : i32
      %while3A_108 = arith.addi %while3A_106, %while3A_107 : i32
      %while3A_109 = arith.constant 1 : i32
      %while3A_110 = arith.divsi %while3A_107, %while3A_109 : i32
      %while3A_111 = arith.muli %while3A_110, %while3A_109 : i32
      %while3A_112 = arith.addi %while3A_106, %while3A_111 : i32
      %while3A_113 = arith.constant 1 : i32
      scf.for %while3A_115 = %while3A_106 to %while3A_112 step %while3A_113  : i32 {
        %run_scoped3A = arith.constant 1 : i32
        "tpu.region"() ({
          %run_scoped3A_116 = tpu.sem_alloc : memref<!tpu.dma_semaphore, #tpu.memory_space<semaphore_mem>>
          %dma_start3A = arith.constant 0 : i32
          %dma_start3A_117 = tpu.memref_slice %arg5[%while3A_115, %run_scoped3A, %dma_start3A] : memref<26x2x128xi32, #tpu.memory_space<vmem>> -> memref<1x1x128xi32, #tpu.memory_space<vmem>>
          %dma_start3A_118 = tpu.memref_squeeze %dma_start3A_117 : memref<1x1x128xi32, #tpu.memory_space<vmem>> -> memref<128xi32, #tpu.memory_space<vmem>>
          %dma_start3A_119 = arith.constant 0 : i32
          %dma_start3A_120 = tpu.memref_slice %arg7[%dma_start3A_119] : memref<10064xf32, #tpu.memory_space<vmem_shared>> -> memref<10064xf32, #tpu.memory_space<vmem_shared>>
          tpu.enqueue_indirect_dma source(%arg6 : memref<128xf32, #tpu.memory_space<vmem>>) target(%dma_start3A_120 : memref<10064xf32, #tpu.memory_space<vmem_shared>>) offsets(%dma_start3A_118 : memref<128xi32, #tpu.memory_space<vmem>>) semaphore(%run_scoped3A_116 : memref<!tpu.dma_semaphore, #tpu.memory_space<semaphore_mem>>) {add = true}
          %dma_wait3A = arith.constant 0 : i32
          %dma_wait3A_121 = tpu.memref_slice %arg5[%while3A_115, %run_scoped3A, %dma_wait3A] : memref<26x2x128xi32, #tpu.memory_space<vmem>> -> memref<1x1x128xi32, #tpu.memory_space<vmem>>
          %dma_wait3A_122 = tpu.memref_squeeze %dma_wait3A_121 : memref<1x1x128xi32, #tpu.memory_space<vmem>> -> memref<128xi32, #tpu.memory_space<vmem>>
          %dma_wait3A_123 = arith.constant 0 : i32
          %dma_wait3A_124 = tpu.memref_slice %arg7[%dma_wait3A_123] : memref<10064xf32, #tpu.memory_space<vmem_shared>> -> memref<10064xf32, #tpu.memory_space<vmem_shared>>
          tpu.wait_indirect_dma semaphore(%run_scoped3A_116 : memref<!tpu.dma_semaphore, #tpu.memory_space<semaphore_mem>>) src(%arg6 : memref<128xf32, #tpu.memory_space<vmem>>) dst(%dma_wait3A_124 : memref<10064xf32, #tpu.memory_space<vmem_shared>>)
          tpu.yield
        }) : () -> ()
      }
      %while3A_114 = arith.constant 1 : i32
      scf.for %while3A_115 = %while3A_112 to %while3A_108 step %while3A_114  : i32 {
        %run_scoped3A = arith.constant 1 : i32
        "tpu.region"() ({
          %run_scoped3A_116 = tpu.sem_alloc : memref<!tpu.dma_semaphore, #tpu.memory_space<semaphore_mem>>
          %dma_start3A = arith.constant 0 : i32
          %dma_start3A_117 = tpu.memref_slice %arg5[%while3A_115, %run_scoped3A, %dma_start3A] : memref<26x2x128xi32, #tpu.memory_space<vmem>> -> memref<1x1x128xi32, #tpu.memory_space<vmem>>
          %dma_start3A_118 = tpu.memref_squeeze %dma_start3A_117 : memref<1x1x128xi32, #tpu.memory_space<vmem>> -> memref<128xi32, #tpu.memory_space<vmem>>
          %dma_start3A_119 = arith.constant 0 : i32
          %dma_start3A_120 = tpu.memref_slice %arg7[%dma_start3A_119] : memref<10064xf32, #tpu.memory_space<vmem_shared>> -> memref<10064xf32, #tpu.memory_space<vmem_shared>>
          tpu.enqueue_indirect_dma source(%arg6 : memref<128xf32, #tpu.memory_space<vmem>>) target(%dma_start3A_120 : memref<10064xf32, #tpu.memory_space<vmem_shared>>) offsets(%dma_start3A_118 : memref<128xi32, #tpu.memory_space<vmem>>) semaphore(%run_scoped3A_116 : memref<!tpu.dma_semaphore, #tpu.memory_space<semaphore_mem>>) {add = true}
          %dma_wait3A = arith.constant 0 : i32
          %dma_wait3A_121 = tpu.memref_slice %arg5[%while3A_115, %run_scoped3A, %dma_wait3A] : memref<26x2x128xi32, #tpu.memory_space<vmem>> -> memref<1x1x128xi32, #tpu.memory_space<vmem>>
          %dma_wait3A_122 = tpu.memref_squeeze %dma_wait3A_121 : memref<1x1x128xi32, #tpu.memory_space<vmem>> -> memref<128xi32, #tpu.memory_space<vmem>>
          %dma_wait3A_123 = arith.constant 0 : i32
          %dma_wait3A_124 = tpu.memref_slice %arg7[%dma_wait3A_123] : memref<10064xf32, #tpu.memory_space<vmem_shared>> -> memref<10064xf32, #tpu.memory_space<vmem_shared>>
          tpu.wait_indirect_dma semaphore(%run_scoped3A_116 : memref<!tpu.dma_semaphore, #tpu.memory_space<semaphore_mem>>) src(%arg6 : memref<128xf32, #tpu.memory_space<vmem>>) dst(%dma_wait3A_124 : memref<10064xf32, #tpu.memory_space<vmem_shared>>)
          tpu.yield
        }) : () -> ()
      }
    } else {
    }
    %sub3A_87 = arith.constant 78 : i32
    %sub3A_88 = arith.subi %add3A_56, %sub3A_87 : i32
    %jit3A_89 = arith.constant 0 : i32
    %jit3A_90 = arith.constant 26 : i32
    %max3A_91 = arith.maxsi %jit3A_89, %sub3A_88 : i32
    %min3A_92 = arith.minsi %jit3A_90, %max3A_91 : i32
    %gt3A_93 = arith.constant 0 : i32
    %gt3A_94 = arith.cmpi sgt, %min3A_92, %gt3A_93 : i32
    %convert_element_type3A_95 = arith.extui %gt3A_94 : i1 to i32
    %cond3A_96 = arith.constant 0 : i32
    %cond3A_97 = arith.cmpi ne, %convert_element_type3A_95, %cond3A_96 : i32
    scf.if %cond3A_97 {
      %add3A_104 = arith.constant 78 : i32
      %add3A_105 = arith.addi %add3A_52, %add3A_104 : i32
      "tpu.region"() ({
        %run_scoped3A = tpu.sem_alloc : memref<!tpu.dma_semaphore, #tpu.memory_space<semaphore_mem>>
        %dma_start3A = arith.constant 0 : i32
        %dma_start3A_115 = arith.constant 0 : i32
        %dma_start3A_116 = tpu.memref_slice %arg2[%add3A_105, %dma_start3A, %dma_start3A_115] : memref<2500x2x128xi32, #tpu.memory_space<hbm>> -> memref<26x2x128xi32, #tpu.memory_space<hbm>>
        %dma_start3A_117 = arith.constant 0 : i32
        %dma_start3A_118 = arith.constant 0 : i32
        %dma_start3A_119 = tpu.memref_slice %arg2[%add3A_105, %dma_start3A_117, %dma_start3A_118] : memref<2500x2x128xi32, #tpu.memory_space<hbm>> -> memref<26x2x128xi32, #tpu.memory_space<hbm>>
        tpu.enqueue_dma source(%dma_start3A_119 : memref<26x2x128xi32, #tpu.memory_space<hbm>>) target(%arg5 : memref<26x2x128xi32, #tpu.memory_space<vmem>>) target_semaphore(%run_scoped3A : memref<!tpu.dma_semaphore, #tpu.memory_space<semaphore_mem>>)
        %dma_wait3A = arith.constant 0 : i32
        %dma_wait3A_120 = arith.constant 0 : i32
        %dma_wait3A_121 = tpu.memref_slice %arg2[%add3A_105, %dma_wait3A, %dma_wait3A_120] : memref<2500x2x128xi32, #tpu.memory_space<hbm>> -> memref<26x2x128xi32, #tpu.memory_space<hbm>>
        %dma_wait3A_122 = arith.constant 0 : i32
        %dma_wait3A_123 = arith.constant 0 : i32
        %dma_wait3A_124 = tpu.memref_slice %arg2[%add3A_105, %dma_wait3A_122, %dma_wait3A_123] : memref<2500x2x128xi32, #tpu.memory_space<hbm>> -> memref<26x2x128xi32, #tpu.memory_space<hbm>>
        tpu.wait_dma2 semaphore(%run_scoped3A : memref<!tpu.dma_semaphore, #tpu.memory_space<semaphore_mem>>) src(%dma_wait3A_124 : memref<26x2x128xi32, #tpu.memory_space<hbm>>) dst(%arg5 : memref<26x2x128xi32, #tpu.memory_space<vmem>>)
        tpu.yield
      }) : () -> ()
      %while3A = arith.constant 0 : i32
      %while3A_106 = arith.constant 0 : i32
      %while3A_107 = arith.subi %min3A_92, %while3A_106 : i32
      %while3A_108 = arith.addi %while3A_106, %while3A_107 : i32
      %while3A_109 = arith.constant 1 : i32
      %while3A_110 = arith.divsi %while3A_107, %while3A_109 : i32
      %while3A_111 = arith.muli %while3A_110, %while3A_109 : i32
      %while3A_112 = arith.addi %while3A_106, %while3A_111 : i32
      %while3A_113 = arith.constant 1 : i32
      scf.for %while3A_115 = %while3A_106 to %while3A_112 step %while3A_113  : i32 {
        %run_scoped3A = arith.constant 1 : i32
        "tpu.region"() ({
          %run_scoped3A_116 = tpu.sem_alloc : memref<!tpu.dma_semaphore, #tpu.memory_space<semaphore_mem>>
          %dma_start3A = arith.constant 0 : i32
          %dma_start3A_117 = tpu.memref_slice %arg5[%while3A_115, %run_scoped3A, %dma_start3A] : memref<26x2x128xi32, #tpu.memory_space<vmem>> -> memref<1x1x128xi32, #tpu.memory_space<vmem>>
          %dma_start3A_118 = tpu.memref_squeeze %dma_start3A_117 : memref<1x1x128xi32, #tpu.memory_space<vmem>> -> memref<128xi32, #tpu.memory_space<vmem>>
          %dma_start3A_119 = arith.constant 0 : i32
          %dma_start3A_120 = tpu.memref_slice %arg7[%dma_start3A_119] : memref<10064xf32, #tpu.memory_space<vmem_shared>> -> memref<10064xf32, #tpu.memory_space<vmem_shared>>
          tpu.enqueue_indirect_dma source(%arg6 : memref<128xf32, #tpu.memory_space<vmem>>) target(%dma_start3A_120 : memref<10064xf32, #tpu.memory_space<vmem_shared>>) offsets(%dma_start3A_118 : memref<128xi32, #tpu.memory_space<vmem>>) semaphore(%run_scoped3A_116 : memref<!tpu.dma_semaphore, #tpu.memory_space<semaphore_mem>>) {add = true}
          %dma_wait3A = arith.constant 0 : i32
          %dma_wait3A_121 = tpu.memref_slice %arg5[%while3A_115, %run_scoped3A, %dma_wait3A] : memref<26x2x128xi32, #tpu.memory_space<vmem>> -> memref<1x1x128xi32, #tpu.memory_space<vmem>>
          %dma_wait3A_122 = tpu.memref_squeeze %dma_wait3A_121 : memref<1x1x128xi32, #tpu.memory_space<vmem>> -> memref<128xi32, #tpu.memory_space<vmem>>
          %dma_wait3A_123 = arith.constant 0 : i32
          %dma_wait3A_124 = tpu.memref_slice %arg7[%dma_wait3A_123] : memref<10064xf32, #tpu.memory_space<vmem_shared>> -> memref<10064xf32, #tpu.memory_space<vmem_shared>>
          tpu.wait_indirect_dma semaphore(%run_scoped3A_116 : memref<!tpu.dma_semaphore, #tpu.memory_space<semaphore_mem>>) src(%arg6 : memref<128xf32, #tpu.memory_space<vmem>>) dst(%dma_wait3A_124 : memref<10064xf32, #tpu.memory_space<vmem_shared>>)
          tpu.yield
        }) : () -> ()
      }
      %while3A_114 = arith.constant 1 : i32
      scf.for %while3A_115 = %while3A_112 to %while3A_108 step %while3A_114  : i32 {
        %run_scoped3A = arith.constant 1 : i32
        "tpu.region"() ({
          %run_scoped3A_116 = tpu.sem_alloc : memref<!tpu.dma_semaphore, #tpu.memory_space<semaphore_mem>>
          %dma_start3A = arith.constant 0 : i32
          %dma_start3A_117 = tpu.memref_slice %arg5[%while3A_115, %run_scoped3A, %dma_start3A] : memref<26x2x128xi32, #tpu.memory_space<vmem>> -> memref<1x1x128xi32, #tpu.memory_space<vmem>>
          %dma_start3A_118 = tpu.memref_squeeze %dma_start3A_117 : memref<1x1x128xi32, #tpu.memory_space<vmem>> -> memref<128xi32, #tpu.memory_space<vmem>>
          %dma_start3A_119 = arith.constant 0 : i32
          %dma_start3A_120 = tpu.memref_slice %arg7[%dma_start3A_119] : memref<10064xf32, #tpu.memory_space<vmem_shared>> -> memref<10064xf32, #tpu.memory_space<vmem_shared>>
          tpu.enqueue_indirect_dma source(%arg6 : memref<128xf32, #tpu.memory_space<vmem>>) target(%dma_start3A_120 : memref<10064xf32, #tpu.memory_space<vmem_shared>>) offsets(%dma_start3A_118 : memref<128xi32, #tpu.memory_space<vmem>>) semaphore(%run_scoped3A_116 : memref<!tpu.dma_semaphore, #tpu.memory_space<semaphore_mem>>) {add = true}
          %dma_wait3A = arith.constant 0 : i32
          %dma_wait3A_121 = tpu.memref_slice %arg5[%while3A_115, %run_scoped3A, %dma_wait3A] : memref<26x2x128xi32, #tpu.memory_space<vmem>> -> memref<1x1x128xi32, #tpu.memory_space<vmem>>
          %dma_wait3A_122 = tpu.memref_squeeze %dma_wait3A_121 : memref<1x1x128xi32, #tpu.memory_space<vmem>> -> memref<128xi32, #tpu.memory_space<vmem>>
          %dma_wait3A_123 = arith.constant 0 : i32
          %dma_wait3A_124 = tpu.memref_slice %arg7[%dma_wait3A_123] : memref<10064xf32, #tpu.memory_space<vmem_shared>> -> memref<10064xf32, #tpu.memory_space<vmem_shared>>
          tpu.wait_indirect_dma semaphore(%run_scoped3A_116 : memref<!tpu.dma_semaphore, #tpu.memory_space<semaphore_mem>>) src(%arg6 : memref<128xf32, #tpu.memory_space<vmem>>) dst(%dma_wait3A_124 : memref<10064xf32, #tpu.memory_space<vmem_shared>>)
          tpu.yield
        }) : () -> ()
      }
    } else {
    }
    %barrier3A_98 = arith.constant 0 : index
    tpu.barrier barrier_id(%barrier3A_98)
    %eq3A_99 = arith.constant 0 : i32
    %eq3A_100 = arith.cmpi eq, %arg1, %eq3A_99 : i32
    %convert_element_type3A_101 = arith.extui %eq3A_100 : i1 to i32
    %cond3A_102 = arith.constant 0 : i32
    %cond3A_103 = arith.cmpi ne, %convert_element_type3A_101, %cond3A_102 : i32
    scf.if %cond3A_103 {
      "tpu.region"() ({
        %run_scoped3A = tpu.sem_alloc : memref<!tpu.dma_semaphore, #tpu.memory_space<semaphore_mem>>
        %dma_start3A = arith.constant 0 : i32
        %dma_start3A_104 = tpu.memref_slice %arg4[%arg0, %dma_start3A] : memref<2x10064xf32, #tpu.memory_space<hbm>> -> memref<1x10064xf32, #tpu.memory_space<hbm>>
        %dma_start3A_105 = tpu.memref_squeeze %dma_start3A_104 : memref<1x10064xf32, #tpu.memory_space<hbm>> -> memref<10064xf32, #tpu.memory_space<hbm>>
        tpu.enqueue_dma source(%arg7 : memref<10064xf32, #tpu.memory_space<vmem_shared>>) target(%dma_start3A_105 : memref<10064xf32, #tpu.memory_space<hbm>>) target_semaphore(%run_scoped3A : memref<!tpu.dma_semaphore, #tpu.memory_space<semaphore_mem>>)
        %dma_wait3A = arith.constant 0 : i32
        %dma_wait3A_106 = tpu.memref_slice %arg4[%arg0, %dma_wait3A] : memref<2x10064xf32, #tpu.memory_space<hbm>> -> memref<1x10064xf32, #tpu.memory_space<hbm>>
        %dma_wait3A_107 = tpu.memref_squeeze %dma_wait3A_106 : memref<1x10064xf32, #tpu.memory_space<hbm>> -> memref<10064xf32, #tpu.memory_space<hbm>>
        tpu.wait_dma2 semaphore(%run_scoped3A : memref<!tpu.dma_semaphore, #tpu.memory_space<semaphore_mem>>) src(%arg7 : memref<10064xf32, #tpu.memory_space<vmem_shared>>) dst(%dma_wait3A_107 : memref<10064xf32, #tpu.memory_space<hbm>>)
        tpu.yield
      }) : () -> ()
    } else {
    }
    return
  }
}

module attributes {stable_mosaic.version = 14 : i64} {
  func.func @_mmh_body(%arg0: i32, %arg1: memref<2000x128xf32, #tpu.memory_space<vmem>>, %arg2: memref<128x128xf32, #tpu.memory_space<vmem>>, %arg3: memref<2000x128xf32, #tpu.memory_space<vmem>>) attributes {dimension_semantics = [#tpu.dimension_semantics<arbitrary>], iteration_bounds = array<i64: 5>, scalar_prefetch = 0 : i64, scratch_operands = 0 : i64, tpu.core_type = #tpu.core_type<tc>, window_params = [{transform_indices = @transform_0, window_bounds = array<i64: 2000, 128>}, {pipeline_mode = #tpu.pipeline_mode<synchronous>, transform_indices = @transform_1, window_bounds = array<i64: 128, 128>}, {transform_indices = @transform_2, window_bounds = array<i64: 2000, 128>}]} {
    %get3A = arith.constant 0 : index
    %get3A_0 = arith.constant 0 : index
    %get3A_1 = vector.load %arg1[%get3A, %get3A_0] : memref<2000x128xf32, #tpu.memory_space<vmem>>, vector<2000x128xf32>
    %get3A_2 = arith.constant 0 : index
    %get3A_3 = arith.constant 0 : index
    %get3A_4 = vector.load %arg2[%get3A_2, %get3A_3] : memref<128x128xf32, #tpu.memory_space<vmem>>, vector<128x128xf32>
    %dot_general3A = arith.constant dense<0.000000e+00> : vector<2000x128xf32>
    %dot_general3A_5 = tpu.matmul %get3A_1, %get3A_4, %dot_general3A {dimension_numbers = #tpu.dot_dimension_numbers<[1], [0], [0], [1], [0, 0, 1, 1], [], []>, transpose_lhs_hint = false} : vector<2000x128xf32>, vector<128x128xf32>, vector<2000x128xf32> -> vector<2000x128xf32>
    %swap3A = arith.constant 0 : index
    %swap3A_6 = arith.constant 0 : index
    %swap3A_7 = vector.load %arg3[%swap3A, %swap3A_6] : memref<2000x128xf32, #tpu.memory_space<vmem>>, vector<2000x128xf32>
    tpu.vector_store %arg3[%swap3A, %swap3A_6], %dot_general3A_5 {strides = array<i32>} : memref<2000x128xf32, #tpu.memory_space<vmem>>, vector<2000x128xf32>,
    return
  }
  func.func @transform_0(%arg0: i32) -> (i32, i32) {
    %c0_i32 = arith.constant 0 : i32
    %c0_i32_0 = arith.constant 0 : i32
    return %arg0, %c0_i32 : i32, i32
  }
  func.func @transform_1(%arg0: i32) -> (i32, i32) {
    %c0_i32 = arith.constant 0 : i32
    %c0_i32_0 = arith.constant 0 : i32
    %c0_i32_1 = arith.constant 0 : i32
    return %c0_i32, %c0_i32_0 : i32, i32
  }
  func.func @transform_2(%arg0: i32) -> (i32, i32) {
    %c0_i32 = arith.constant 0 : i32
    %c0_i32_0 = arith.constant 0 : i32
    return %arg0, %c0_i32 : i32, i32
  }
}

module attributes {stable_mosaic.version = 14 : i64} {
  func.func @_scale_body(%arg0: i32, %arg1: memref<2000x128xf32, #tpu.memory_space<vmem>>, %arg2: memref<1x1x2000xf32, #tpu.memory_space<vmem>>, %arg3: memref<1x1x2000xf32, #tpu.memory_space<vmem>>, %arg4: memref<2000x128xf32, #tpu.memory_space<vmem>>, %arg5: memref<1x1x2000xf32, #tpu.memory_space<vmem>>) attributes {dimension_semantics = [#tpu.dimension_semantics<arbitrary>], iteration_bounds = array<i64: 5>, scalar_prefetch = 0 : i64, scratch_operands = 0 : i64, tpu.core_type = #tpu.core_type<tc>, window_params = [{transform_indices = @transform_0, window_bounds = array<i64: 2000, 128>}, {transform_indices = @transform_1, window_bounds = array<i64: 1, 1, 2000>}, {transform_indices = @transform_2, window_bounds = array<i64: 1, 1, 2000>}, {transform_indices = @transform_3, window_bounds = array<i64: 2000, 128>}, {transform_indices = @transform_4, window_bounds = array<i64: 1, 1, 2000>}]} {
    %get3A = arith.constant 0 : index
    %get3A_0 = arith.constant 0 : index
    %get3A_1 = arith.constant 0 : index
    %get3A_2 = vector.load %arg2[%get3A, %get3A_0, %get3A_1] : memref<1x1x2000xf32, #tpu.memory_space<vmem>>, vector<1x1x2000xf32>
    %get3A_3 = vector.shape_cast %get3A_2 : vector<1x1x2000xf32> to vector<1x2000xf32>
    %get3A_4 = arith.constant 0 : index
    %get3A_5 = arith.constant 0 : index
    %get3A_6 = arith.constant 0 : index
    %get3A_7 = vector.load %arg3[%get3A_4, %get3A_5, %get3A_6] : memref<1x1x2000xf32, #tpu.memory_space<vmem>>, vector<1x1x2000xf32>
    %get3A_8 = vector.shape_cast %get3A_7 : vector<1x1x2000xf32> to vector<1x2000xf32>
    %add3A = arith.addf %get3A_3, %get3A_8 : vector<1x2000xf32>
    %add3A_9 = arith.constant 1.000000e+00 : f32
    %add3A_10 = vector.broadcast %add3A_9 : f32 to vector<1x2000xf32>
    %add3A_11 = arith.addf %add3A, %add3A_10 : vector<1x2000xf32>
    %rsqrt3A = math.rsqrt %add3A_11 : vector<1x2000xf32>
    %reshape3A = vector.shape_cast %rsqrt3A : vector<1x2000xf32> to vector<2000x1xf32>
    %get3A_12 = arith.constant 0 : index
    %get3A_13 = arith.constant 0 : index
    %get3A_14 = vector.load %arg1[%get3A_12, %get3A_13] : memref<2000x128xf32, #tpu.memory_space<vmem>>, vector<2000x128xf32>
    %mul3A = vector.broadcast %reshape3A : vector<2000x1xf32> to vector<2000x128xf32>
    %mul3A_15 = arith.mulf %get3A_14, %mul3A : vector<2000x128xf32>
    %swap3A = arith.constant 0 : index
    %swap3A_16 = arith.constant 0 : index
    %swap3A_17 = vector.load %arg4[%swap3A, %swap3A_16] : memref<2000x128xf32, #tpu.memory_space<vmem>>, vector<2000x128xf32>
    tpu.vector_store %arg4[%swap3A, %swap3A_16], %mul3A_15 {strides = array<i32>} : memref<2000x128xf32, #tpu.memory_space<vmem>>, vector<2000x128xf32>,
    %swap3A_18 = arith.constant 0 : index
    %swap3A_19 = arith.constant 0 : index
    %swap3A_20 = arith.constant 0 : index
    %swap3A_21 = vector.load %arg5[%swap3A_18, %swap3A_19, %swap3A_20] : memref<1x1x2000xf32, #tpu.memory_space<vmem>>, vector<1x1x2000xf32>
    %swap3A_22 = vector.shape_cast %swap3A_21 : vector<1x1x2000xf32> to vector<1x2000xf32>
    %swap3A_23 = vector.shape_cast %rsqrt3A : vector<1x2000xf32> to vector<1x1x2000xf32>
    tpu.vector_store %arg5[%swap3A_18, %swap3A_19, %swap3A_20], %swap3A_23 {strides = array<i32>} : memref<1x1x2000xf32, #tpu.memory_space<vmem>>, vector<1x1x2000xf32>,
    return
  }
  func.func @transform_0(%arg0: i32) -> (i32, i32) {
    %c0_i32 = arith.constant 0 : i32
    %c0_i32_0 = arith.constant 0 : i32
    return %arg0, %c0_i32 : i32, i32
  }
  func.func @transform_1(%arg0: i32) -> (i32, i32, i32) {
    %c0_i32 = arith.constant 0 : i32
    %c0_i32_0 = arith.constant 0 : i32
    %c0_i32_1 = arith.constant 0 : i32
    return %arg0, %c0_i32, %c0_i32_0 : i32, i32, i32
  }
  func.func @transform_2(%arg0: i32) -> (i32, i32, i32) {
    %c0_i32 = arith.constant 0 : i32
    %c0_i32_0 = arith.constant 0 : i32
    %c0_i32_1 = arith.constant 0 : i32
    return %arg0, %c0_i32, %c0_i32_0 : i32, i32, i32
  }
  func.func @transform_3(%arg0: i32) -> (i32, i32) {
    %c0_i32 = arith.constant 0 : i32
    %c0_i32_0 = arith.constant 0 : i32
    return %arg0, %c0_i32 : i32, i32
  }
  func.func @transform_4(%arg0: i32) -> (i32, i32, i32) {
    %c0_i32 = arith.constant 0 : i32
    %c0_i32_0 = arith.constant 0 : i32
    %c0_i32_1 = arith.constant 0 : i32
    return %arg0, %c0_i32, %c0_i32_0 : i32, i32, i32
  }
}

module attributes {stable_mosaic.version = 14 : i64} {
  func.func @_mlp_body(%arg0: i32, %arg1: memref<1x2000x128xf32, #tpu.memory_space<vmem>>, %arg2: memref<1x2000x128xf32, #tpu.memory_space<vmem>>, %arg3: memref<1x1x2000xf32, #tpu.memory_space<vmem>>, %arg4: memref<1x128xf32, #tpu.memory_space<vmem>>, %arg5: memref<128x128xf32, #tpu.memory_space<vmem>>, %arg6: memref<1x128xf32, #tpu.memory_space<vmem>>, %arg7: memref<128x128xf32, #tpu.memory_space<vmem>>, %arg8: memref<1x128xf32, #tpu.memory_space<vmem>>, %arg9: memref<128x2xf32, #tpu.memory_space<vmem>>, %arg10: memref<2x1xf32, #tpu.memory_space<vmem>>, %arg11: memref<1x2x2000xf32, #tpu.memory_space<vmem>>) attributes {dimension_semantics = [#tpu.dimension_semantics<arbitrary>], iteration_bounds = array<i64: 5>, scalar_prefetch = 0 : i64, scratch_operands = 0 : i64, tpu.core_type = #tpu.core_type<tc>, window_params = [{transform_indices = @transform_0, window_bounds = array<i64: 1, 2000, 128>}, {transform_indices = @transform_1, window_bounds = array<i64: 1, 2000, 128>}, {transform_indices = @transform_2, window_bounds = array<i64: 1, 1, 2000>}, {pipeline_mode = #tpu.pipeline_mode<synchronous>, transform_indices = @transform_3, window_bounds = array<i64: 1, 128>}, {pipeline_mode = #tpu.pipeline_mode<synchronous>, transform_indices = @transform_4, window_bounds = array<i64: 128, 128>}, {pipeline_mode = #tpu.pipeline_mode<synchronous>, transform_indices = @transform_5, window_bounds = array<i64: 1, 128>}, {pipeline_mode = #tpu.pipeline_mode<synchronous>, transform_indices = @transform_6, window_bounds = array<i64: 128, 128>}, {pipeline_mode = #tpu.pipeline_mode<synchronous>, transform_indices = @transform_7, window_bounds = array<i64: 1, 128>}, {pipeline_mode = #tpu.pipeline_mode<synchronous>, transform_indices = @transform_8, window_bounds = array<i64: 128, 2>}, {pipeline_mode = #tpu.pipeline_mode<synchronous>, transform_indices = @transform_9, window_bounds = array<i64: 2, 1>}, {transform_indices = @transform_10, window_bounds = array<i64: 1, 2, 2000>}]} {
    %get3A = arith.constant 0 : index
    %get3A_0 = arith.constant 0 : index
    %get3A_1 = arith.constant 0 : index
    %get3A_2 = vector.load %arg3[%get3A, %get3A_0, %get3A_1] : memref<1x1x2000xf32, #tpu.memory_space<vmem>>, vector<1x1x2000xf32>
    %get3A_3 = vector.shape_cast %get3A_2 : vector<1x1x2000xf32> to vector<1x2000xf32>
    %reshape3A = vector.shape_cast %get3A_3 : vector<1x2000xf32> to vector<2000x1xf32>
    %get3A_4 = arith.constant 0 : index
    %get3A_5 = arith.constant 0 : index
    %get3A_6 = arith.constant 0 : index
    %get3A_7 = vector.load %arg1[%get3A_4, %get3A_5, %get3A_6] : memref<1x2000x128xf32, #tpu.memory_space<vmem>>, vector<1x2000x128xf32>
    %get3A_8 = vector.shape_cast %get3A_7 : vector<1x2000x128xf32> to vector<2000x128xf32>
    %get3A_9 = arith.constant 0 : index
    %get3A_10 = arith.constant 0 : index
    %get3A_11 = arith.constant 0 : index
    %get3A_12 = vector.load %arg2[%get3A_9, %get3A_10, %get3A_11] : memref<1x2000x128xf32, #tpu.memory_space<vmem>>, vector<1x2000x128xf32>
    %get3A_13 = vector.shape_cast %get3A_12 : vector<1x2000x128xf32> to vector<2000x128xf32>
    %add3A = arith.addf %get3A_8, %get3A_13 : vector<2000x128xf32>
    %mul3A = vector.broadcast %reshape3A : vector<2000x1xf32> to vector<2000x128xf32>
    %mul3A_14 = arith.mulf %add3A, %mul3A : vector<2000x128xf32>
    %get3A_15 = arith.constant 0 : index
    %get3A_16 = arith.constant 0 : index
    %get3A_17 = vector.load %arg4[%get3A_15, %get3A_16] : memref<1x128xf32, #tpu.memory_space<vmem>>, vector<1x128xf32>
    %add3A_18 = vector.broadcast %get3A_17 : vector<1x128xf32> to vector<2000x128xf32>
    %add3A_19 = arith.addf %mul3A_14, %add3A_18 : vector<2000x128xf32>
    %max3A = arith.constant 0.000000e+00 : f32
    %max3A_20 = vector.broadcast %max3A : f32 to vector<2000x128xf32>
    %max3A_21 = arith.maximumf %add3A_19, %max3A_20 : vector<2000x128xf32>
    %get3A_22 = arith.constant 0 : index
    %get3A_23 = arith.constant 0 : index
    %get3A_24 = vector.load %arg5[%get3A_22, %get3A_23] : memref<128x128xf32, #tpu.memory_space<vmem>>, vector<128x128xf32>
    %dot_general3A = arith.constant dense<0.000000e+00> : vector<2000x128xf32>
    %dot_general3A_25 = tpu.matmul %max3A_21, %get3A_24, %dot_general3A {dimension_numbers = #tpu.dot_dimension_numbers<[1], [0], [0], [1], [0, 0, 1, 1], [], []>, transpose_lhs_hint = false} : vector<2000x128xf32>, vector<128x128xf32>, vector<2000x128xf32> -> vector<2000x128xf32>
    %get3A_26 = arith.constant 0 : index
    %get3A_27 = arith.constant 0 : index
    %get3A_28 = vector.load %arg6[%get3A_26, %get3A_27] : memref<1x128xf32, #tpu.memory_space<vmem>>, vector<1x128xf32>
    %add3A_29 = vector.broadcast %get3A_28 : vector<1x128xf32> to vector<2000x128xf32>
    %add3A_30 = arith.addf %dot_general3A_25, %add3A_29 : vector<2000x128xf32>
    %max3A_31 = arith.constant 0.000000e+00 : f32
    %max3A_32 = vector.broadcast %max3A_31 : f32 to vector<2000x128xf32>
    %max3A_33 = arith.maximumf %add3A_30, %max3A_32 : vector<2000x128xf32>
    %get3A_34 = arith.constant 0 : index
    %get3A_35 = arith.constant 0 : index
    %get3A_36 = vector.load %arg7[%get3A_34, %get3A_35] : memref<128x128xf32, #tpu.memory_space<vmem>>, vector<128x128xf32>
    %dot_general3A_37 = arith.constant dense<0.000000e+00> : vector<2000x128xf32>
    %dot_general3A_38 = tpu.matmul %max3A_33, %get3A_36, %dot_general3A_37 {dimension_numbers = #tpu.dot_dimension_numbers<[1], [0], [0], [1], [0, 0, 1, 1], [], []>, transpose_lhs_hint = false} : vector<2000x128xf32>, vector<128x128xf32>, vector<2000x128xf32> -> vector<2000x128xf32>
    %get3A_39 = arith.constant 0 : index
    %get3A_40 = arith.constant 0 : index
    %get3A_41 = vector.load %arg8[%get3A_39, %get3A_40] : memref<1x128xf32, #tpu.memory_space<vmem>>, vector<1x128xf32>
    %add3A_42 = vector.broadcast %get3A_41 : vector<1x128xf32> to vector<2000x128xf32>
    %add3A_43 = arith.addf %dot_general3A_38, %add3A_42 : vector<2000x128xf32>
    %max3A_44 = arith.constant 0.000000e+00 : f32
    %max3A_45 = vector.broadcast %max3A_44 : f32 to vector<2000x128xf32>
    %max3A_46 = arith.maximumf %add3A_43, %max3A_45 : vector<2000x128xf32>
    %get3A_47 = arith.constant 0 : index
    %get3A_48 = arith.constant 0 : index
    %get3A_49 = vector.load %arg9[%get3A_47, %get3A_48] : memref<128x2xf32, #tpu.memory_space<vmem>>, vector<128x2xf32>
    %dot_general3A_50 = arith.constant dense<0.000000e+00> : vector<2x2000xf32>
    %dot_general3A_51 = tpu.matmul %get3A_49, %max3A_46, %dot_general3A_50 {dimension_numbers = #tpu.dot_dimension_numbers<[0], [1], [1], [0], [0, 1, 1, 0], [], []>, transpose_lhs_hint = false} : vector<128x2xf32>, vector<2000x128xf32>, vector<2x2000xf32> -> vector<2x2000xf32>
    %get3A_52 = arith.constant 0 : index
    %get3A_53 = arith.constant 0 : index
    %get3A_54 = vector.load %arg10[%get3A_52, %get3A_53] : memref<2x1xf32, #tpu.memory_space<vmem>>, vector<2x1xf32>
    %add3A_55 = vector.broadcast %get3A_54 : vector<2x1xf32> to vector<2x2000xf32>
    %add3A_56 = arith.addf %dot_general3A_51, %add3A_55 : vector<2x2000xf32>
    %swap3A = arith.constant 0 : index
    %swap3A_57 = arith.constant 0 : index
    %swap3A_58 = arith.constant 0 : index
    %swap3A_59 = vector.load %arg11[%swap3A, %swap3A_57, %swap3A_58] : memref<1x2x2000xf32, #tpu.memory_space<vmem>>, vector<1x2x2000xf32>
    %swap3A_60 = vector.shape_cast %swap3A_59 : vector<1x2x2000xf32> to vector<2x2000xf32>
    %swap3A_61 = vector.shape_cast %add3A_56 : vector<2x2000xf32> to vector<1x2x2000xf32>
    tpu.vector_store %arg11[%swap3A, %swap3A_57, %swap3A_58], %swap3A_61 {strides = array<i32>} : memref<1x2x2000xf32, #tpu.memory_space<vmem>>, vector<1x2x2000xf32>,
    return
  }
  func.func @transform_0(%arg0: i32) -> (i32, i32, i32) {
    %c0_i32 = arith.constant 0 : i32
    %c0_i32_0 = arith.constant 0 : i32
    %c0_i32_1 = arith.constant 0 : i32
    return %c0_i32, %arg0, %c0_i32_0 : i32, i32, i32
  }
  func.func @transform_1(%arg0: i32) -> (i32, i32, i32) {
    %c1_i32 = arith.constant 1 : i32
    %c0_i32 = arith.constant 0 : i32
    %c0_i32_0 = arith.constant 0 : i32
    return %c1_i32, %arg0, %c0_i32 : i32, i32, i32
  }
  func.func @transform_2(%arg0: i32) -> (i32, i32, i32) {
    %c0_i32 = arith.constant 0 : i32
    %c0_i32_0 = arith.constant 0 : i32
    %c0_i32_1 = arith.constant 0 : i32
    return %arg0, %c0_i32, %c0_i32_0 : i32, i32, i32
  }
  func.func @transform_3(%arg0: i32) -> (i32, i32) {
    %c0_i32 = arith.constant 0 : i32
    %c0_i32_0 = arith.constant 0 : i32
    %c0_i32_1 = arith.constant 0 : i32
    return %c0_i32, %c0_i32_0 : i32, i32
  }
  func.func @transform_4(%arg0: i32) -> (i32, i32) {
    %c0_i32 = arith.constant 0 : i32
    %c0_i32_0 = arith.constant 0 : i32
    %c0_i32_1 = arith.constant 0 : i32
    return %c0_i32, %c0_i32_0 : i32, i32
  }
  func.func @transform_5(%arg0: i32) -> (i32, i32) {
    %c0_i32 = arith.constant 0 : i32
    %c0_i32_0 = arith.constant 0 : i32
    %c0_i32_1 = arith.constant 0 : i32
    return %c0_i32, %c0_i32_0 : i32, i32
  }
  func.func @transform_6(%arg0: i32) -> (i32, i32) {
    %c0_i32 = arith.constant 0 : i32
    %c0_i32_0 = arith.constant 0 : i32
    %c0_i32_1 = arith.constant 0 : i32
    return %c0_i32, %c0_i32_0 : i32, i32
  }
  func.func @transform_7(%arg0: i32) -> (i32, i32) {
    %c0_i32 = arith.constant 0 : i32
    %c0_i32_0 = arith.constant 0 : i32
    %c0_i32_1 = arith.constant 0 : i32
    return %c0_i32, %c0_i32_0 : i32, i32
  }
  func.func @transform_8(%arg0: i32) -> (i32, i32) {
    %c0_i32 = arith.constant 0 : i32
    %c0_i32_0 = arith.constant 0 : i32
    %c0_i32_1 = arith.constant 0 : i32
    return %c0_i32, %c0_i32_0 : i32, i32
  }
  func.func @transform_9(%arg0: i32) -> (i32, i32) {
    %c0_i32 = arith.constant 0 : i32
    %c0_i32_0 = arith.constant 0 : i32
    %c0_i32_1 = arith.constant 0 : i32
    return %c0_i32, %c0_i32_0 : i32, i32
  }
  func.func @transform_10(%arg0: i32) -> (i32, i32, i32) {
    %c0_i32 = arith.constant 0 : i32
    %c0_i32_0 = arith.constant 0 : i32
    %c0_i32_1 = arith.constant 0 : i32
    return %arg0, %c0_i32, %c0_i32_0 : i32, i32, i32
  }
}

</mosaic_0001>

<sc_bundles>
// kernel: kernel.10.cloned.1.call-start
scs
__scs_entry_jumppad:
0x0: {  	(pc) =	sbr.rel $0x88, $3  }
0x1: {  	(tag) =	ssettag $0x0;
	lr =	simm.s32 $0x1  }
0x2: {  	[smem:$0x3F97] =	sst lr;
	_ =	strace $0xD0000000  }
0x3: {  	_ = 	snop  }
0x4: {  	_ = 	snop  }
0x5: {  	_ = 	snop  }
0x6: {  	_ = 	snop  }
0x7: {  	_ = 	snop  }
__scs_overlays_trampoline_lowered:
0x8: {  	[smem:$0x3FA6] =	sst s0  }
0x9: {  	[smem:$0x3FA7] =	sst s1  }
0xa: {  	[smem:$0x3FA8] =	sst s2  }
0xb: {  	[smem:$0x3FA9] =	sst s3  }
0xc: {  	[smem:$0x3FAA] =	sst s4  }
0xd: {  	[smem:$0x3FAB] =	sst s5  }
0xe: {  	[smem:$0x3FAC] =	sst s6  }
0xf: {  	[smem:$0x3FAD] =	sst s7  }
0x10: {  	[smem:$0x3FAE] =	sst s8  }
0x11: {  	[smem:$0x3FAF] =	sst s9;
	s0 =	simm.s32 @!p0 $0x0  }
0x12: {  	s1 =	sld [smem:$0x3F95];
	s0 =	simm.s32 @p0 $0x1  }
0x13: {  	[smem:$0x3FB0] =	sst s0;
	s0 =	simm.s32 @!p1 $0x0  }
0x14: {  	s2 =	sld [smem:$0x3F94];
	s0 =	simm.s32 @p1 $0x1  }
0x15: {  	[smem:$0x3FB1] =	sst s0;
	s0 =	simm.s32 @!p2 $0x0  }
0x16: {  	s3 =	sld [smem:$0x3FDB];
	s0 =	simm.s32 @p2 $0x1  }
0x17: {  	s4 =	simm.s32 $0x1BF5;
	[smem:$0x3FB3] =	sst s0  }
0x18: {  	s0 =	sld [smem:$0x3F96];
	_ =	swait.ge [sflag:s4], $0x0  }
0x19: {  	s7 =	sld [smem:$0x3F97]  }
0x1a: {  	s8 =	sadd.s32 $0xFFFFE003, lr  }
0x1b: {  	s9 =	sadd.s32 $0xFFFFFEF7, lr;
	s5 =	simm.s32 $0xFFFFFFFF;
	p2 =	slt.u32 s8, $0xFFFFF086  }
0x1c: {  	p1 =	slt.u32 s9, $0xF7A;
	s5 =	simm.s32 @!p2 $0x0  }
0x1d: {  	s5 =	simm.s32 @p1 $0x1;
	p0 =	seq.s32 s7, s2  }
0x1e: {  	s7 =	smul.u32 @!p0 $0xF7A, s2;
	p2 =	seq.s32 @!p0 s5, $0x0  }
0x1f: {  	s9 =	smul.u32 $0xF7A, s1;
	s8 =	simm.s32 @!p0 $0x1BF5;
	p2 =	por !p2, p0  }
0x20: {  	[sflag:s8] =	ssyncset.s32 @!p0 $0xFFFFF086;
	s6 =	sadd.s32 @!p0 s3, s7;
	s7 =	simm.s32 @!p0 $0x108  }
0x21: {  	s3 =	sadd.s32 s3, s9;
	s6 =	sadd.s32 @!p0 $0x88, s6;
	s7 =	simm.s32 @p2 $0x1082  }
0x22: {  	[simem:s7], [sflag:s8] =	dma.local @!p0 [hbm:s6], $0xF7A  }
0x23: {  	s9 =	sor.u32 $0xD0000000, s2;
	s6 =	simm.s32 $0x108;
	_ =	swait.ge @!p0 [sflag:s8], $0x0  }
0x24: {  	s3 =	sadd.s32 $0x88, s3;
	s6 =	simm.s32 @!p1 $0x1082;
	[sflag:s4] =	ssyncset.s32 $0xFFFFF086  }
0x25: {  	[simem:s6], [sflag:s4] =	dma.local [hbm:s3], $0xF7A  }
0x26: {  	[smem:$0x3F97] =	sst s1;
	(tag) =	ssettag s2;
	_ =	strace s9  }
0x27: {  	s1 =	sld [smem:$0x3FA7]  }
0x28: {  	s2 =	sld [smem:$0x3FA8]  }
0x29: {  	s4 =	sld [smem:$0x3FAA]  }
0x2a: {  	p0 =	seq.s32 s5, $0x0;
	s5 =	sld [smem:$0x3FAB]  }
0x2b: {  	s6 =	sld [smem:$0x3FAC]  }
0x2c: {  	s7 =	sld [smem:$0x3FAD]  }
0x2d: {  	s3 =	simm.s32 $0x108;
	s8 =	sld [smem:$0x3FAE]  }
0x2e: {  	s3 =	simm.s32 @!p0 $0x1082;
	s9 =	sld [smem:$0x3FAF]  }
0x2f: {  	lr =	sadd.s32 s0, s3;
	s0 =	sld [smem:$0x3FA6]  }
0x30: {  	s3 =	sld [smem:$0x3FA9]  }
0x31: {  	[smem:$0x3FB2] =	sst s10  }
0x32: {  	s10 =	sld [smem:$0x3FB0];
	_ =	sdelay $0x3  }
0x33: {  	p0 =	seq.s32 s10, $0x1;
	s10 =	sld [smem:$0x3FB2];
	_ =	sdelay $0x3  }
0x34: {  	[smem:$0x3FB2] =	sst s10  }
0x35: {  	s10 =	sld [smem:$0x3FB1];
	_ =	sdelay $0x3  }
0x36: {  	p1 =	seq.s32 s10, $0x1;
	s10 =	sld [smem:$0x3FB2];
	_ =	sdelay $0x3  }
0x37: {  	[smem:$0x3FB2] =	sst s10  }
0x38: {  	s10 =	sld [smem:$0x3FB3]  }
0x39: {  	_ = 	snop;
	(pc) =	sbr.ind lr, $3  }
0x3a: {  	_ = 	snop  }
0x3b: {  	_ = 	snop  }
0x3c: {  	p2 =	seq.s32 s10, $0x1;
	s10 =	sld [smem:$0x3FB2]  }
0x3d: {  	_ =	shalt  }
0x3e: {  	_ =	shalt  }
0x3f: {  	_ =	shalt  }
0x40: {  	_ =	shalt  }
0x41: {  	_ =	shalt  }
0x42: {  	_ =	shalt  }
0x43: {  	_ =	shalt  }
0x44: {  	_ =	shalt  }
0x45: {  	_ =	shalt  }
0x46: {  	_ =	shalt  }
0x47: {  	_ =	shalt  }
0x48: {  	_ =	shalt  }
0x49: {  	_ =	shalt  }
0x4a: {  	_ =	shalt  }
0x4b: {  	_ =	shalt  }
0x4c: {  	_ =	shalt  }
0x4d: {  	_ =	shalt  }
0x4e: {  	_ =	shalt  }
0x4f: {  	_ =	shalt  }
0x50: {  	_ =	shalt  }
0x51: {  	_ =	shalt  }
0x52: {  	_ =	shalt  }
0x53: {  	_ =	shalt  }
0x54: {  	_ =	shalt  }
0x55: {  	_ =	shalt  }
0x56: {  	_ =	shalt  }
0x57: {  	_ =	shalt  }
0x58: {  	_ =	shalt  }
0x59: {  	_ =	shalt  }
0x5a: {  	_ =	shalt  }
0x5b: {  	_ =	shalt  }
0x5c: {  	_ =	shalt  }
0x5d: {  	_ =	shalt  }
0x5e: {  	_ =	shalt  }
0x5f: {  	_ =	shalt  }
0x60: {  	_ =	shalt  }
0x61: {  	_ =	shalt  }
0x62: {  	_ =	shalt  }
0x63: {  	_ =	shalt  }
0x64: {  	_ =	shalt  }
0x65: {  	_ =	shalt  }
0x66: {  	_ =	shalt  }
0x67: {  	_ =	shalt  }
0x68: {  	_ =	shalt  }
0x69: {  	_ =	shalt  }
0x6a: {  	_ =	shalt  }
0x6b: {  	_ =	shalt  }
0x6c: {  	_ =	shalt  }
0x6d: {  	_ =	shalt  }
0x6e: {  	_ =	shalt  }
0x6f: {  	_ =	shalt  }
0x70: {  	_ =	shalt  }
0x71: {  	_ =	shalt  }
0x72: {  	_ =	shalt  }
0x73: {  	_ =	shalt  }
0x74: {  	_ =	shalt  }
0x75: {  	_ =	shalt  }
0x76: {  	_ =	shalt  }
0x77: {  	_ =	shalt  }
0x78: {  	_ =	shalt  }
0x79: {  	_ =	shalt  }
0x7a: {  	_ =	shalt  }
0x7b: {  	_ =	shalt  }
0x7c: {  	_ =	shalt  }
0x7d: {  	_ =	shalt  }
0x7e: {  	_ =	shalt  }
0x7f: {  	_ =	shalt  }
0x80: {  	_ =	shalt  }
0x81: {  	_ =	shalt  }
0x82: {  	_ =	shalt  }
0x83: {  	_ =	shalt  }
0x84: {  	_ =	shalt  }
0x85: {  	_ =	shalt  }
0x86: {  	_ =	shalt  }
0x87: {  	_ =	shalt  }
.Lfunc_end0:
.L_simem_size_0:
called_computation.1_lowered:
.L_overlay_start_0:
0x88: {  	s2 =	sld [smem:$0x3FD9]  }
0x89: {  	s3 =	sld [smem:$0x3FFE];
	_ =	sdelay $0x1  }
0x8a: {  	s1 =	srdreg.scid  }
0x8b: {  	s0 =	sand.u32 $0x1, s1  }
0x8c: {  	s16 =	sshll.u32 s0, $0xA;
	s2 =	sadd.s32 s3, s2  }
0x8d: {  	s2 =	sadd.s32 s2, s16  }
0x8e: {  	[smem:$0x3FBE] =	sst s2  }
0x8f: {  	_ = 	snop  }
0x90: {  	(tm) =	ssettm $0x1  }
0x91: {  	s17 =	sld [smem:$0x3FFB];
	_ =	sdelay $0x3  }
0x92: {  	_ =	strace s17  }
0x93: {  	s2 =	sld [smem:$0x3FFC];
	_ =	sdelay $0x3  }
0x94: {  	_ =	strace s2  }
0x95: {  	s2 =	sld [smem:$0x3FFD];
	_ =	sdelay $0x3  }
0x96: {  	_ =	strace s2  }
0x97: {  	_ =	strace $0x8FFFFFFF  }
0x98: {  	s18 =	sld [smem:$0x3FDB];
	_ =	sdelay $0x1  }
0x99: {  	s19 =	simm.s32 $_scs_section_size  }
0x9a: {  	s4 =	simm.s32 $_size__tile_overlayer_lowered;
	s5 =	simm.s32 $_tile_overlayer_lowered  }
0x9b: {  	s22 =	simm.s32 $0x1BFF;
	s21 =	sshll.u32 s5, $0x1;
	s2 =	sadd.s32 s19, s18  }
0x9c: {  	s6 =	simm.s32 $0x0;
	s20 =	sshll.u32 s4, $0x1;
	s4 =	sadd.s32 s21, s2  }
0x9d: {  	[timem:s6], [sflag:s22] =	dma.local [hbm:s4], s20  }
0x9e: {  	_ =	swait.ge [sflag:s22], s20  }
0x9f: {  	s3 =	ssub.s32 $0x0, s20;
	[sflag:s22] =	ssyncset.done $0x0  }
0xa0: {  	[sflag:s22] =	ssyncadd.s32 s3;
	_ =	sdelay $0x1  }
0xa1: {  	s23 =	simm.s32 $0x1B8B  }
0xa2: {  	_ =	swait.ge [sflag:s23], $0x1  }
0xa3: {  	[sflag:s23] =	ssyncset.done $0x0  }
0xa4: {  	s25 =	simm.s32 $0x1B8E;
	s24 =	sld [smem:$0x3FFE];
	[sflag:s23] =	ssyncadd.s32 $0xFFFFFFFF  }
0xa5: {  	s26 =	simm.s32 $execute0_lowered;
	[smem:$0x3FD2] =	sst s25  }
0xa6: {  	s4 =	sshll.u32 s26, $0x1;
	_ =	strace $0x80000049;
	[dreg:$0x1] =	wrdreg $0xFFFFFFFF  }
0xa7: {  	s28 =	simm.s32 $_size_execute0_lowered;
	s2 =	sadd.s32 s2, s4;
	[dreg:$0x0] =	wrdreg $0x0  }
0xa8: {  	s4 =	sshll.u32 s28, $0x1;
	[dreg:$0x2] =	wrdreg s2  }
0xa9: {  	[dreg:$0x3] =	wrdreg s4  }
0xaa: {  	[dreg:$0x4] =	wrdreg $0xC0  }
0xab: {  	_ =	task [dreg:s6], $0x5FFFF  }
0xac: {  	[dreg:$0x1] =	wrdreg $0xFFFFFFFF  }
0xad: {  	[dreg:$0x0] =	wrdreg $0x60  }
0xae: {  	[dreg:$0x2] =	wrdreg s24  }
0xaf: {  	[dreg:$0x3] =	wrdreg $0xC0000  }
0xb0: {  	[dreg:$0x4] =	wrdreg $0x9  }
0xb1: {  	_ =	task.clear_ibuf [dreg:s6], $0x5FFFF;
	_ =	strace $0x90000049  }
0xb2: {  	s29 =	simm.s32 $0x9;
	_ =	strace $0x8000004B  }
0xb3: {  	_ =	swait.ge [sflag:s29], $0x1  }
0xb4: {  	[sflag:s29] =	ssyncadd.s32 $0xFFFFFFFF  }
0xb5: {  	_ =	strace $0x9000004B  }
0xb6: {  	_ =	sfence  }
0xb7: {  	s30 =	sld [smem:$0x0];
	_ =	sdelay $0x2  }
0xb8: {  	s31 =	sshll.u32 s1, $0xD;
	s1 =	sshrl.u32 s1, $0x2  }
0xb9: {  	s3 =	sand.u32 $0x4000, s31;
	s1 =	sadd.s32 s1, s30  }
0xba: {  	s0 =	sor.u32 s3, s0;
	s1 =	sshll.u32 s1, $0x11  }
0xbb: {  	s0 =	sor.u32 s1, s0  }
0xbc: {  	s0 =	sadd.s32 $0x8F2B, s0  }
0xbd: {  	[sflag:s0] =	ssyncadd.remote.s32 $0x1  }
0xbe: {  	_ =	sfence.sel $0xFFFF  }
0xbf: {  	[dreg:$0x0] =	wrdreg $0xFFFFFFFF;
	(pc) =	sbr.abs _section_cstart, $3  }
0xc0: {  	[dreg:$0x1] =	wrdreg $0xFFFFFFFF  }
0xc1: {  	_ =	task.clear_ibuf [dreg:s6], $0x2FFFF;
	_ =	strace $0x9FFFFFFF  }
0xc2: {  	(tm) =	ssettm $0x7FFFFFFF  }
0xc3: {  	_ =	shalt  }
tec
execute0_lowered:
.L_overlay_start_1:
0x0: {  	(tag) =	ssettag $0x1  }
0x1: {  	s0 =	rddreg [dreg:$0x0]  }
0x2: {  	s1 =	rddreg [dreg:$0x1];
	s2 =	simm.s32 $0x0;
	s3 =	srdreg.scid  }
0x3: {  	s21 =	simm.s32 $0x3;
	s22 =	simm.s32 $0x2000;
	s23 =	simm.s32 $0x80  }
0x4: {  	s24 =	simm.s32 $0x4000;
	s25 =	simm.s32 $0x8000;
	s28 =	simm.s32 $0x2  }
0x5: {  	[smem:$0x7FF] =	sst s2;
	s12 =	sadd.s32 $0xBC00, s0;
	s13 =	sadd.s32 $0x1C00, s0  }
0x6: {  	s4 =	sadd.s32 $0x15C00, s0;
	s8 =	sand.u32 $0x1, s3;
	s3 =	stileid.u32  }
0x7: {  	s5 =	sadd.s32 $0x3CE00, s0;
	s15 =	sadd.s32 $0x3F600, s0;
	s10 =	smul.u32 $0x4E000, s3  }
0x8: {  	_ =	strace $0x8000004A;
	s6 =	ssub.s32 $0x2, s8;
	s29 =	smul.u32 $0x2700, s3  }
0x9: {  	s9 =	sshll.u32 s8, $0x4;
	p0 =	seq.s32 s8, $0x1;
	s14 =	smul.u32 $0x138800, s8  }
0xa: {  	s8 =	sadd.s32 $0x138000, s1;
	s18 =	smul.u32 $0x13800, s3;
	p3 =	sne.s32 s3, $0xF  }
0xb: {  	s7 =	sshrl.u32 s6, $0x1;
	s26 =	sor.u32 s3, s9;
	s9 =	sadd.s32 $0x3CC00, s0  }
0xc: {  	s0 =	sadd.s32 $0x138800, s1;
	p1 =	sne.s32 @p0 s3, $0xF;
	p2 =	sne.s32 @!p0 s3, $0xF  }
0xd: {  	s16 =	ssub.s32 s6, s7;
	s30 =	sshrl.u32 s10, $0x2;
	s31 =	smul.u32 $0x2800, s26  }
0xe: {  	s7 =	sadd.s32 s4, s29;
	s18 =	sadd.s32 s18, s14;
	s19 =	sshrl.u32 s14, $0x3  }
0xf: {  	p1 =	por p1, !p0;
	p2 =	por p2, p0;
	s26 =	simm.s32 $0x1  }
0x10: {  	s6 =	sadd.s32 s30, s1;
	s18 =	sshrl.u32 s18, $0x3;
	s16 =	smax.u32 s16, $0x1  }
0x11: {  	s20 =	sshrl.u32 @!p2 s0, $0x3;
	s0 =	simm.s32 $0x0;
	s17 =	sshrl.u32 s31, $0x3  }
0x12: {  	s14 =	sadd.s32 s15, s18;
	s15 =	sadd.s32 s15, s19;
	s18 =	sshrl.u32 @p0 s6, $0x3  }
0x13: {  	s10 =	sadd.s32 s12, s17;
	s11 =	sadd.s32 s13, s17;
	s17 =	sadd.s32 $0x400, s17  }
0x14: {  	s12 =	sadd.s32 s12, s17;
	s13 =	sadd.s32 s13, s17;
	s17 =	sshll.u32 @p0 s3, $0x6  }
0x15: {  	s19 =	sshrl.u32 @!p1 s8, $0x3;
	s15 =	sadd.s32 $0x27000, s15;
	s17 =	sor.u32 @p0 $0x1C03, s17  }
.LBB2_1:
0x16: {  	[spmem:s18], [sflag:s17] =	dma.local @p0 [hbm:s5], $0x2700  }
0x17: {  	s29 =	simm.s32 @p0 $0x3  }
0x18: {  	_ =	swait.ge @p0 [sflag:s29], $0x2700  }
0x19: {  	[sflag:s29] =	ssyncset.done @p0 $0x0  }
0x1a: {  	[sflag:s29] =	ssyncadd.s32 @p0 $0xFFFFD900;
	s29 =	simm.s32 @!p1 $0x3  }
0x1b: {  	[spmem:s19], [sflag:s17] =	dma.local @!p1 [hbm:s5], $0x500  }
0x1c: {  	_ =	swait.ge @!p1 [sflag:s29], $0x500  }
0x1d: {  	s30 =	sshll.u32 @!p0 s3, $0x6;
	[sflag:s29] =	ssyncset.done @!p1 $0x0  }
0x1e: {  	[sflag:s29] =	ssyncadd.s32 @!p1 $0xFFFFFB00;
	s29 =	sor.u32 @!p0 $0x1C03, s30;
	s30 =	sshrl.u32 @!p0 s6, $0x3  }
0x1f: {  	[spmem:s30], [sflag:s29] =	dma.local @!p0 [hbm:s7], $0x2700  }
0x20: {  	s30 =	simm.s32 @!p0 $0x3  }
0x21: {  	_ =	swait.ge @!p0 [sflag:s30], $0x2700  }
0x22: {  	[sflag:s30] =	ssyncset.done @!p0 $0x0  }
0x23: {  	[sflag:s30] =	ssyncadd.s32 @!p0 $0xFFFFD900;
	s30 =	sshrl.u32 @!p2 s8, $0x3  }
0x24: {  	[spmem:s30], [sflag:s29] =	dma.local @!p2 [hbm:s9], $0x100  }
0x25: {  	s30 =	simm.s32 @!p2 $0x3  }
0x26: {  	_ =	swait.ge @!p2 [sflag:s30], $0x100  }
0x27: {  	[sflag:s30] =	ssyncset.done @!p2 $0x0  }
0x28: {  	[sflag:s30] =	ssyncadd.s32 @!p2 $0xFFFFFF00  }
0x29: {  	[spmem:s20], [sflag:s29] =	dma.local @!p2 [hbm:s5], $0x400  }
0x2a: {  	_ =	swait.ge @!p2 [sflag:s30], $0x400  }
0x2b: {  	[sflag:s30] =	ssyncset.done @!p2 $0x0  }
0x2c: {  	[sflag:s30] =	ssyncadd.s32 @!p2 $0xFFFFFC00  }
0x2d: {  	[bflag:$0x0] =	sbarrier.arrive $0xFFFF  }
0x2e: {  	[tilespmem:s2], [sflag:$0x3] =	stream.linear.gather [hbm4b:s10+s2], $0x2000, $0x38;
	[tilespmem:$0x1FA80] =	vst v63  }
0x2f: {  	_ =	swait.ge [sflag:s21], $0x2000  }
0x30: {  	[sflag:s21] =	ssyncset.done $0x0  }
0x31: {  	[sflag:s21] =	ssyncadd.s32 $0xFFFFE000  }
0x32: {  	[tilespmem:s22], [sflag:$0x3] =	stream.linear.gather [hbm4b:s11+s2], $0x2000, $0x38;
	[tilespmem:$0x1FA80] =	vst v63  }
0x33: {  	_ =	swait.ge [sflag:s21], $0x2000  }
0x34: {  	[sflag:s21] =	ssyncset.done $0x0  }
0x35: {  	[sflag:s21] =	ssyncadd.s32 $0xFFFFE000  }
0x36: {  	[tilespmem:s24], [sflag:$0x1] =	stream.indirect.gather [hbm4b:s4+s23], $0x80, s2, s23, $0xb8;
	[tilespmem:$0x1FA80] =	vst v63  }
0x37: {  	_ = 	snop  }
0x38: {  	[tilespmem:s25], [sflag:$0x2] =	stream.indirect.gather [hbm4b:s4+s23], $0x80, s23, s23, $0xb8;
	[tilespmem:$0x1FA80] =	vst v63  }
0x39: {  	_ =	swait.ge [sflag:s26], $0x4000  }
0x3a: {  	[sflag:s26] =	ssyncset.done $0x0  }
0x3b: {  	s29 =	simm.s32 $0x2000;
	[sflag:s26] =	ssyncadd.s32 $0xFFFFC000  }
0x3c: {  	[spmem:s1] =	stream.indirect.scatter.add.f32 [tilespmem:s24], [sflag:$0x3], $0x80, s29, s23, $0xb8;
	[tilespmem:$0x1FA80] =	vst v63  }
0x3d: {  	_ =	swait.ge [sflag:s21], $0x4000  }
0x3e: {  	[sflag:s21] =	ssyncset.done $0x0  }
0x3f: {  	s29 =	simm.s32 $0x100;
	[sflag:s21] =	ssyncadd.s32 $0xFFFFC000  }
0x40: {  	[tilespmem:s24], [sflag:$0x1] =	stream.indirect.gather [hbm4b:s4+s23], $0x80, s29, s23, $0xb8;
	[tilespmem:$0x1FA80] =	vst v63  }
0x41: {  	_ =	swait.ge [sflag:s28], $0x4000  }
0x42: {  	[sflag:s28] =	ssyncset.done $0x0  }
0x43: {  	s29 =	simm.s32 $0x2080;
	[sflag:s28] =	ssyncadd.s32 $0xFFFFC000  }
0x44: {  	[spmem:s1] =	stream.indirect.scatter.add.f32 [tilespmem:s25], [sflag:$0x3], $0x80, s29, s23, $0xb8;
	[tilespmem:$0x1FA80] =	vst v63  }
0x45: {  	_ =	swait.ge [sflag:s21], $0x4000  }
0x46: {  	[sflag:s21] =	ssyncset.done $0x0  }
0x47: {  	s30 =	simm.s32 $0x180;
	s29 =	simm.s32 $0x400;
	[sflag:s21] =	ssyncadd.s32 $0xFFFFC000  }
.LBB2_2:
0x48: {  	[tilespmem:s25], [sflag:$0x2] =	stream.indirect.gather [hbm4b:s4+s23], $0x80, s30, s23, $0xb8;
	[tilespmem:$0x1FA80] =	vst v63  }
0x49: {  	s30 =	smov.u32 s29  }
0x4a: {  	p4 =	sne.s32 s29, $0x7800;
	s29 =	sadd.s32 $0x400, s29;
	_ =	swait.ge [sflag:s26], $0x4000  }
0x4b: {  	s30 =	sshra.s32 s30, $0x2;
	[sflag:s26] =	ssyncset.done $0x0  }
0x4c: {  	s31 =	sadd.s32 $0x2000, s30;
	[sflag:s26] =	ssyncadd.s32 $0xFFFFC000  }
0x4d: {  	[spmem:s1] =	stream.indirect.scatter.add.f32 [tilespmem:s24], [sflag:$0x3], $0x80, s31, s23, $0xb8;
	[tilespmem:$0x1FA80] =	vst v63  }
0x4e: {  	_ =	swait.ge [sflag:s21], $0x4000  }
0x4f: {  	[sflag:s21] =	ssyncset.done $0x0  }
0x50: {  	s31 =	sadd.s32 $0x100, s30;
	[sflag:s21] =	ssyncadd.s32 $0xFFFFC000  }
0x51: {  	[tilespmem:s24], [sflag:$0x1] =	stream.indirect.gather [hbm4b:s4+s23], $0x80, s31, s23, $0xb8;
	[tilespmem:$0x1FA80] =	vst v63  }
0x52: {  	_ =	swait.ge [sflag:s28], $0x4000  }
0x53: {  	[sflag:s28] =	ssyncset.done $0x0  }
.Ltmp0:
0x54: {  	s31 =	sadd.s32 $0x2080, s30;
	[sflag:s28] =	ssyncadd.s32 $0xFFFFC000;
	(pc) =	sbr.rel @p4 .LBB2_2-.Ltmp0, $4  }
0x55: {  	[spmem:s1] =	stream.indirect.scatter.add.f32 [tilespmem:s25], [sflag:$0x3], $0x80, s31, s23, $0xb8;
	[tilespmem:$0x1FA80] =	vst v63  }
0x56: {  	_ =	swait.ge [sflag:s21], $0x4000  }
0x57: {  	[sflag:s21] =	ssyncset.done $0x0  }
0x58: {  	s30 =	sadd.s32 $0x180, s30;
	[sflag:s21] =	ssyncadd.s32 $0xFFFFC000  }
0x59: {  	[tilespmem:s25], [sflag:$0x2] =	stream.indirect.gather [hbm4b:s4+s23], $0x80, s30, s23, $0xb8;
	[tilespmem:$0x1FA80] =	vst v63  }
0x5a: {  	_ =	swait.ge [sflag:s26], $0x4000  }
0x5b: {  	[sflag:s26] =	ssyncset.done $0x0  }
0x5c: {  	s29 =	simm.s32 $0x3F00;
	[sflag:s26] =	ssyncadd.s32 $0xFFFFC000  }
0x5d: {  	[spmem:s1] =	stream.indirect.scatter.add.f32 [tilespmem:s24], [sflag:$0x3], $0x80, s29, s23, $0xb8;
	[tilespmem:$0x1FA80] =	vst v63  }
0x5e: {  	_ =	swait.ge [sflag:s21], $0x4000  }
0x5f: {  	[sflag:s21] =	ssyncset.done $0x0  }
0x60: {  	[sflag:s21] =	ssyncadd.s32 $0xFFFFC000  }
0x61: {  	_ =	swait.ge [sflag:s28], $0x4000  }
0x62: {  	[sflag:s28] =	ssyncset.done $0x0  }
0x63: {  	s30 =	simm.s32 $0x3F80;
	[sflag:s28] =	ssyncadd.s32 $0xFFFFC000  }
0x64: {  	[spmem:s1] =	stream.indirect.scatter.add.f32 [tilespmem:s25], [sflag:$0x3], $0x80, s30, s23, $0xb8;
	[tilespmem:$0x1FA80] =	vst v63  }
0x65: {  	_ =	swait.ge [sflag:s21], $0x4000  }
0x66: {  	[sflag:s21] =	ssyncset.done $0x0  }
0x67: {  	[sflag:s21] =	ssyncadd.s32 $0xFFFFC000  }
0x68: {  	[tilespmem:s2], [sflag:$0x3] =	stream.linear.gather [hbm4b:s12+s2], $0x800, $0x38;
	[tilespmem:$0x1FA80] =	vst v63  }
0x69: {  	_ =	swait.ge [sflag:s21], $0x800  }
0x6a: {  	[sflag:s21] =	ssyncset.done $0x0  }
0x6b: {  	[sflag:s21] =	ssyncadd.s32 $0xFFFFF800  }
0x6c: {  	[tilespmem:s22], [sflag:$0x3] =	stream.linear.gather [hbm4b:s13+s2], $0x800, $0x38;
	[tilespmem:$0x1FA80] =	vst v63  }
0x6d: {  	_ =	swait.ge [sflag:s21], $0x800  }
0x6e: {  	[sflag:s21] =	ssyncset.done $0x0  }
0x6f: {  	[sflag:s21] =	ssyncadd.s32 $0xFFFFF800  }
0x70: {  	[tilespmem:s24], [sflag:$0x1] =	stream.indirect.gather [hbm4b:s4+s23], $0x80, s2, s23, $0xb8;
	[tilespmem:$0x1FA80] =	vst v63  }
0x71: {  	_ = 	snop  }
0x72: {  	[tilespmem:s25], [sflag:$0x2] =	stream.indirect.gather [hbm4b:s4+s23], $0x80, s23, s23, $0xb8;
	[tilespmem:$0x1FA80] =	vst v63  }
0x73: {  	_ =	swait.ge [sflag:s26], $0x4000  }
0x74: {  	[sflag:s26] =	ssyncset.done $0x0  }
0x75: {  	[sflag:s26] =	ssyncadd.s32 $0xFFFFC000  }
0x76: {  	[spmem:s1] =	stream.indirect.scatter.add.f32 [tilespmem:s24], [sflag:$0x3], $0x80, s22, s23, $0xb8;
	[tilespmem:$0x1FA80] =	vst v63  }
0x77: {  	_ =	swait.ge [sflag:s21], $0x4000  }
0x78: {  	[sflag:s21] =	ssyncset.done $0x0  }
0x79: {  	s31 =	simm.s32 $0x100;
	[sflag:s21] =	ssyncadd.s32 $0xFFFFC000  }
0x7a: {  	[tilespmem:s24], [sflag:$0x1] =	stream.indirect.gather [hbm4b:s4+s23], $0x80, s31, s23, $0xb8;
	[tilespmem:$0x1FA80] =	vst v63  }
0x7b: {  	_ =	swait.ge [sflag:s28], $0x4000  }
0x7c: {  	[sflag:s28] =	ssyncset.done $0x0  }
0x7d: {  	s30 =	simm.s32 $0x2080;
	[sflag:s28] =	ssyncadd.s32 $0xFFFFC000  }
0x7e: {  	[spmem:s1] =	stream.indirect.scatter.add.f32 [tilespmem:s25], [sflag:$0x3], $0x80, s30, s23, $0xb8;
	[tilespmem:$0x1FA80] =	vst v63  }
0x7f: {  	_ =	swait.ge [sflag:s21], $0x4000  }
0x80: {  	[sflag:s21] =	ssyncset.done $0x0  }
0x81: {  	s31 =	simm.s32 $0x180;
	[sflag:s21] =	ssyncadd.s32 $0xFFFFC000  }
0x82: {  	[tilespmem:s25], [sflag:$0x2] =	stream.indirect.gather [hbm4b:s4+s23], $0x80, s31, s23, $0xb8;
	[tilespmem:$0x1FA80] =	vst v63  }
0x83: {  	_ =	swait.ge [sflag:s26], $0x4000  }
0x84: {  	[sflag:s26] =	ssyncset.done $0x0  }
0x85: {  	s30 =	simm.s32 $0x2100;
	[sflag:s26] =	ssyncadd.s32 $0xFFFFC000  }
0x86: {  	[spmem:s1] =	stream.indirect.scatter.add.f32 [tilespmem:s24], [sflag:$0x3], $0x80, s30, s23, $0xb8;
	[tilespmem:$0x1FA80] =	vst v63  }
0x87: {  	_ =	swait.ge [sflag:s21], $0x4000  }
0x88: {  	[sflag:s21] =	ssyncset.done $0x0  }
0x89: {  	s31 =	simm.s32 $0x200;
	[sflag:s21] =	ssyncadd.s32 $0xFFFFC000  }
0x8a: {  	[tilespmem:s24], [sflag:$0x1] =	stream.indirect.gather [hbm4b:s4+s23], $0x80, s31, s23, $0xb8;
	[tilespmem:$0x1FA80] =	vst v63  }
0x8b: {  	_ =	swait.ge [sflag:s28], $0x4000  }
0x8c: {  	[sflag:s28] =	ssyncset.done $0x0  }
0x8d: {  	s30 =	simm.s32 $0x2180;
	[sflag:s28] =	ssyncadd.s32 $0xFFFFC000  }
0x8e: {  	[spmem:s1] =	stream.indirect.scatter.add.f32 [tilespmem:s25], [sflag:$0x3], $0x80, s30, s23, $0xb8;
	[tilespmem:$0x1FA80] =	vst v63  }
0x8f: {  	_ =	swait.ge [sflag:s21], $0x4000  }
0x90: {  	[sflag:s21] =	ssyncset.done $0x0  }
0x91: {  	s31 =	simm.s32 $0x280;
	[sflag:s21] =	ssyncadd.s32 $0xFFFFC000  }
0x92: {  	[tilespmem:s25], [sflag:$0x2] =	stream.indirect.gather [hbm4b:s4+s23], $0x80, s31, s23, $0xb8;
	[tilespmem:$0x1FA80] =	vst v63  }
0x93: {  	_ =	swait.ge [sflag:s26], $0x4000  }
0x94: {  	[sflag:s26] =	ssyncset.done $0x0  }
0x95: {  	s30 =	simm.s32 $0x2200;
	[sflag:s26] =	ssyncadd.s32 $0xFFFFC000  }
0x96: {  	[spmem:s1] =	stream.indirect.scatter.add.f32 [tilespmem:s24], [sflag:$0x3], $0x80, s30, s23, $0xb8;
	[tilespmem:$0x1FA80] =	vst v63  }
0x97: {  	_ =	swait.ge [sflag:s21], $0x4000  }
0x98: {  	[sflag:s21] =	ssyncset.done $0x0  }
0x99: {  	s31 =	simm.s32 $0x300;
	[sflag:s21] =	ssyncadd.s32 $0xFFFFC000  }
0x9a: {  	[tilespmem:s24], [sflag:$0x1] =	stream.indirect.gather [hbm4b:s4+s23], $0x80, s31, s23, $0xb8;
	[tilespmem:$0x1FA80] =	vst v63  }
0x9b: {  	_ =	swait.ge [sflag:s28], $0x4000  }
0x9c: {  	[sflag:s28] =	ssyncset.done $0x0  }
0x9d: {  	s30 =	simm.s32 $0x2280;
	[sflag:s28] =	ssyncadd.s32 $0xFFFFC000  }
0x9e: {  	[spmem:s1] =	stream.indirect.scatter.add.f32 [tilespmem:s25], [sflag:$0x3], $0x80, s30, s23, $0xb8;
	[tilespmem:$0x1FA80] =	vst v63  }
0x9f: {  	_ =	swait.ge [sflag:s21], $0x4000  }
0xa0: {  	[sflag:s21] =	ssyncset.done $0x0  }
0xa1: {  	s31 =	simm.s32 $0x380;
	[sflag:s21] =	ssyncadd.s32 $0xFFFFC000  }
0xa2: {  	[tilespmem:s25], [sflag:$0x2] =	stream.indirect.gather [hbm4b:s4+s23], $0x80, s31, s23, $0xb8;
	[tilespmem:$0x1FA80] =	vst v63  }
0xa3: {  	_ =	swait.ge [sflag:s26], $0x4000  }
0xa4: {  	[sflag:s26] =	ssyncset.done $0x0  }
0xa5: {  	s30 =	simm.s32 $0x2300;
	[sflag:s26] =	ssyncadd.s32 $0xFFFFC000  }
0xa6: {  	[spmem:s1] =	stream.indirect.scatter.add.f32 [tilespmem:s24], [sflag:$0x3], $0x80, s30, s23, $0xb8;
	[tilespmem:$0x1FA80] =	vst v63  }
0xa7: {  	_ =	swait.ge [sflag:s21], $0x4000  }
0xa8: {  	[sflag:s21] =	ssyncset.done $0x0  }
0xa9: {  	s31 =	simm.s32 $0x400;
	[sflag:s21] =	ssyncadd.s32 $0xFFFFC000  }
0xaa: {  	[tilespmem:s24], [sflag:$0x1] =	stream.indirect.gather [hbm4b:s4+s23], $0x80, s31, s23, $0xb8;
	[tilespmem:$0x1FA80] =	vst v63  }
0xab: {  	_ =	swait.ge [sflag:s28], $0x4000  }
0xac: {  	[sflag:s28] =	ssyncset.done $0x0  }
0xad: {  	s30 =	simm.s32 $0x2380;
	[sflag:s28] =	ssyncadd.s32 $0xFFFFC000  }
0xae: {  	[spmem:s1] =	stream.indirect.scatter.add.f32 [tilespmem:s25], [sflag:$0x3], $0x80, s30, s23, $0xb8;
	[tilespmem:$0x1FA80] =	vst v63  }
0xaf: {  	_ =	swait.ge [sflag:s21], $0x4000  }
0xb0: {  	[sflag:s21] =	ssyncset.done $0x0  }
0xb1: {  	s31 =	simm.s32 $0x480;
	[sflag:s21] =	ssyncadd.s32 $0xFFFFC000  }
0xb2: {  	[tilespmem:s25], [sflag:$0x2] =	stream.indirect.gather [hbm4b:s4+s23], $0x80, s31, s23, $0xb8;
	[tilespmem:$0x1FA80] =	vst v63  }
0xb3: {  	_ =	swait.ge [sflag:s26], $0x4000  }
0xb4: {  	[sflag:s26] =	ssyncset.done $0x0  }
0xb5: {  	s30 =	simm.s32 $0x2400;
	[sflag:s26] =	ssyncadd.s32 $0xFFFFC000  }
0xb6: {  	[spmem:s1] =	stream.indirect.scatter.add.f32 [tilespmem:s24], [sflag:$0x3], $0x80, s30, s23, $0xb8;
	[tilespmem:$0x1FA80] =	vst v63  }
0xb7: {  	_ =	swait.ge [sflag:s21], $0x4000  }
0xb8: {  	[sflag:s21] =	ssyncset.done $0x0  }
0xb9: {  	s31 =	simm.s32 $0x500;
	[sflag:s21] =	ssyncadd.s32 $0xFFFFC000  }
0xba: {  	[tilespmem:s24], [sflag:$0x1] =	stream.indirect.gather [hbm4b:s4+s23], $0x80, s31, s23, $0xb8;
	[tilespmem:$0x1FA80] =	vst v63  }
0xbb: {  	_ =	swait.ge [sflag:s28], $0x4000  }
0xbc: {  	[sflag:s28] =	ssyncset.done $0x0  }
0xbd: {  	s30 =	simm.s32 $0x2480;
	[sflag:s28] =	ssyncadd.s32 $0xFFFFC000  }
0xbe: {  	[spmem:s1] =	stream.indirect.scatter.add.f32 [tilespmem:s25], [sflag:$0x3], $0x80, s30, s23, $0xb8;
	[tilespmem:$0x1FA80] =	vst v63  }
0xbf: {  	_ =	swait.ge [sflag:s21], $0x4000  }
0xc0: {  	[sflag:s21] =	ssyncset.done $0x0  }
0xc1: {  	s31 =	simm.s32 $0x580;
	[sflag:s21] =	ssyncadd.s32 $0xFFFFC000  }
0xc2: {  	[tilespmem:s25], [sflag:$0x2] =	stream.indirect.gather [hbm4b:s4+s23], $0x80, s31, s23, $0xb8;
	[tilespmem:$0x1FA80] =	vst v63  }
0xc3: {  	_ =	swait.ge [sflag:s26], $0x4000  }
0xc4: {  	[sflag:s26] =	ssyncset.done $0x0  }
0xc5: {  	s30 =	simm.s32 $0x2500;
	[sflag:s26] =	ssyncadd.s32 $0xFFFFC000  }
0xc6: {  	[spmem:s1] =	stream.indirect.scatter.add.f32 [tilespmem:s24], [sflag:$0x3], $0x80, s30, s23, $0xb8;
	[tilespmem:$0x1FA80] =	vst v63  }
0xc7: {  	_ =	swait.ge [sflag:s21], $0x4000  }
0xc8: {  	[sflag:s21] =	ssyncset.done $0x0  }
0xc9: {  	s31 =	simm.s32 $0x600;
	[sflag:s21] =	ssyncadd.s32 $0xFFFFC000  }
0xca: {  	[tilespmem:s24], [sflag:$0x1] =	stream.indirect.gather [hbm4b:s4+s23], $0x80, s31, s23, $0xb8;
	[tilespmem:$0x1FA80] =	vst v63  }
0xcb: {  	_ =	swait.ge [sflag:s28], $0x4000  }
0xcc: {  	[sflag:s28] =	ssyncset.done $0x0  }
0xcd: {  	s30 =	simm.s32 $0x2580;
	[sflag:s28] =	ssyncadd.s32 $0xFFFFC000  }
0xce: {  	[spmem:s1] =	stream.indirect.scatter.add.f32 [tilespmem:s25], [sflag:$0x3], $0x80, s30, s23, $0xb8;
	[tilespmem:$0x1FA80] =	vst v63  }
0xcf: {  	_ =	swait.ge [sflag:s21], $0x4000  }
0xd0: {  	[sflag:s21] =	ssyncset.done $0x0  }
0xd1: {  	s31 =	simm.s32 $0x680;
	[sflag:s21] =	ssyncadd.s32 $0xFFFFC000  }
0xd2: {  	[tilespmem:s25], [sflag:$0x2] =	stream.indirect.gather [hbm4b:s4+s23], $0x80, s31, s23, $0xb8;
	[tilespmem:$0x1FA80] =	vst v63  }
0xd3: {  	_ =	swait.ge [sflag:s26], $0x4000  }
0xd4: {  	[sflag:s26] =	ssyncset.done $0x0  }
0xd5: {  	s30 =	simm.s32 $0x2600;
	[sflag:s26] =	ssyncadd.s32 $0xFFFFC000  }
0xd6: {  	[spmem:s1] =	stream.indirect.scatter.add.f32 [tilespmem:s24], [sflag:$0x3], $0x80, s30, s23, $0xb8;
	[tilespmem:$0x1FA80] =	vst v63  }
0xd7: {  	_ =	swait.ge [sflag:s21], $0x4000  }
0xd8: {  	[sflag:s21] =	ssyncset.done $0x0  }
0xd9: {  	s31 =	simm.s32 $0x700;
	[sflag:s21] =	ssyncadd.s32 $0xFFFFC000  }
0xda: {  	[tilespmem:s24], [sflag:$0x1] =	stream.indirect.gather [hbm4b:s4+s23], $0x80, s31, s23, $0xb8;
	[tilespmem:$0x1FA80] =	vst v63  }
0xdb: {  	_ =	swait.ge [sflag:s28], $0x4000  }
0xdc: {  	[sflag:s28] =	ssyncset.done $0x0  }
0xdd: {  	s30 =	simm.s32 $0x2680;
	[sflag:s28] =	ssyncadd.s32 $0xFFFFC000  }
0xde: {  	[spmem:s1] =	stream.indirect.scatter.add.f32 [tilespmem:s25], [sflag:$0x3], $0x80, s30, s23, $0xb8;
	[tilespmem:$0x1FA80] =	vst v63  }
0xdf: {  	_ =	swait.ge [sflag:s21], $0x4000  }
0xe0: {  	[sflag:s21] =	ssyncset.done $0x0  }
0xe1: {  	s31 =	simm.s32 $0x780;
	[sflag:s21] =	ssyncadd.s32 $0xFFFFC000  }
0xe2: {  	[tilespmem:s25], [sflag:$0x2] =	stream.indirect.gather [hbm4b:s4+s23], $0x80, s31, s23, $0xb8;
	[tilespmem:$0x1FA80] =	vst v63  }
0xe3: {  	_ =	swait.ge [sflag:s26], $0x4000  }
0xe4: {  	[sflag:s26] =	ssyncset.done $0x0  }
0xe5: {  	s30 =	simm.s32 $0x2700;
	[sflag:s26] =	ssyncadd.s32 $0xFFFFC000  }
0xe6: {  	[spmem:s1] =	stream.indirect.scatter.add.f32 [tilespmem:s24], [sflag:$0x3], $0x80, s30, s23, $0xb8;
	[tilespmem:$0x1FA80] =	vst v63  }
0xe7: {  	_ =	swait.ge [sflag:s21], $0x4000  }
0xe8: {  	[sflag:s21] =	ssyncset.done $0x0  }
0xe9: {  	[sflag:s21] =	ssyncadd.s32 $0xFFFFC000  }
0xea: {  	_ =	swait.ge [sflag:s28], $0x4000  }
0xeb: {  	[sflag:s28] =	ssyncset.done $0x0  }
0xec: {  	s31 =	simm.s32 $0x2780;
	[sflag:s28] =	ssyncadd.s32 $0xFFFFC000  }
0xed: {  	[spmem:s1] =	stream.indirect.scatter.add.f32 [tilespmem:s25], [sflag:$0x3], $0x80, s31, s23, $0xb8;
	[tilespmem:$0x1FA80] =	vst v63  }
0xee: {  	_ =	swait.ge [sflag:s21], $0x4000  }
0xef: {  	[sflag:s21] =	ssyncset.done $0x0  }
0xf0: {  	s30 =	sshll.u32 s3, $0x6;
	[sflag:s21] =	ssyncadd.s32 $0xFFFFC000  }
0xf1: {  	s29 =	sor.u32 $0x1C03, s30;
	s31 =	sshrl.u32 s6, $0x3;
	[bflag:$0x0] =	sbarrier.arrive $0xFFFF  }
0xf2: {  	[hbm:s14], [sflag:s29] =	dma.local [spmem:s31], $0x2700  }
0xf3: {  	_ =	swait.ge [sflag:s21], $0x2700  }
0xf4: {  	s0 =	sadd.s32 $0x1, s0;
	[sflag:s21] =	ssyncset.done $0x0  }
0xf5: {  	p4 =	sne.s32 s0, s16;
	s30 =	sshrl.u32 @!p3 s8, $0x3;
	[sflag:s21] =	ssyncadd.s32 $0xFFFFD900  }
0xf6: {  	[hbm:s15], [sflag:s29] =	dma.local @!p3 [spmem:s30], $0x100  }
.Ltmp1:
0xf7: {  	_ = 	snop;
	(pc) =	sbr.rel @p4 .LBB2_1-.Ltmp1, $4  }
0xf8: {  	s29 =	simm.s32 @!p3 $0x3  }
0xf9: {  	_ =	swait.ge @!p3 [sflag:s29], $0x100  }
0xfa: {  	[sflag:s29] =	ssyncset.done @!p3 $0x0  }
0xfb: {  	[sflag:s29] =	ssyncadd.s32 @!p3 $0xFFFFFF00  }
0xfc: {  	_ =	sfence.sel $0x180000  }
0xfd: {  	[bflag:$0x0] =	sbarrier.arrive $0xFFFF  }
0xfe: {  	_ =	strace $0x9000004A  }
0xff: {  	[bflag:$0x2] =	sbarrier.arrive $0xFFFF  }
0x100: {  	p0 =	sne.s32 s3, $0x0;
	s0 =	rddreg [dreg:$0x2]  }
0x101: {  	s0 =	sadd.s32 @!p0 $0x100000, s0  }
0x102: {  	[sflag:s0] =	ssyncadd.tile.s32 @!p0 $0x1;
	_ =	shalt  }
.Lfunc_end2:
_tile_overlayer_lowered:
.L_overlay_start_2:
0x103: {  	(tag) =	ssettag $0x2  }
0x104: {  	s0 =	rddreg [dreg:$0x0];
	s2 =	stileid.u32  }
0x105: {  	s1 =	rddreg [dreg:$0x1];
	p0 =	sne.s32 s2, $0x0  }
0x106: {  	s3 =	rddreg [dreg:$0x2];
	[bflag:$0x3] =	sbarrier.arrive $0xFFFF;
	s2 =	simm.s32 @!p0 $0x1C03  }
0x107: {  	[timem:s3], [sflag:s2] =	dma.local @!p0 [hbm:s0], s1  }
0x108: {  	s0 =	simm.s32 @!p0 $0x3  }
0x109: {  	_ =	swait.ge @!p0 [sflag:s0], s1  }
0x10a: {  	s1 =	ssub.s32 @!p0 $0x0, s1;
	[sflag:s0] =	ssyncset.done @!p0 $0x0  }
0x10b: {  	[sflag:s0] =	ssyncadd.s32 @!p0 s1  }
0x10c: {  	[bflag:$0x3] =	sbarrier.arrive $0xFFFF  }
0x10d: {  	_ =	shalt  }

// kernel: kernel.7.cloned.1.call-start
scs
__scs_entry_jumppad:
0x0: {  	(pc) =	sbr.rel $0x88, $3  }
0x1: {  	(tag) =	ssettag $0x0;
	lr =	simm.s32 $0x1  }
0x2: {  	[smem:$0x3F97] =	sst lr;
	_ =	strace $0xD0000000  }
0x3: {  	_ = 	snop  }
0x4: {  	_ = 	snop  }
0x5: {  	_ = 	snop  }
0x6: {  	_ = 	snop  }
0x7: {  	_ = 	snop  }
__scs_overlays_trampoline_lowered:
0x8: {  	[smem:$0x3FA6] =	sst s0  }
0x9: {  	[smem:$0x3FA7] =	sst s1  }
0xa: {  	[smem:$0x3FA8] =	sst s2  }
0xb: {  	[smem:$0x3FA9] =	sst s3  }
0xc: {  	[smem:$0x3FAA] =	sst s4  }
0xd: {  	[smem:$0x3FAB] =	sst s5  }
0xe: {  	[smem:$0x3FAC] =	sst s6  }
0xf: {  	[smem:$0x3FAD] =	sst s7  }
0x10: {  	[smem:$0x3FAE] =	sst s8  }
0x11: {  	[smem:$0x3FAF] =	sst s9;
	s0 =	simm.s32 @!p0 $0x0  }
0x12: {  	s1 =	sld [smem:$0x3F95];
	s0 =	simm.s32 @p0 $0x1  }
0x13: {  	[smem:$0x3FB0] =	sst s0;
	s0 =	simm.s32 @!p1 $0x0  }
0x14: {  	s2 =	sld [smem:$0x3F94];
	s0 =	simm.s32 @p1 $0x1  }
0x15: {  	[smem:$0x3FB1] =	sst s0;
	s0 =	simm.s32 @!p2 $0x0  }
0x16: {  	s3 =	sld [smem:$0x3FDB];
	s0 =	simm.s32 @p2 $0x1  }
0x17: {  	s4 =	simm.s32 $0x1BF5;
	[smem:$0x3FB3] =	sst s0  }
0x18: {  	s0 =	sld [smem:$0x3F96];
	_ =	swait.ge [sflag:s4], $0x0  }
0x19: {  	s7 =	sld [smem:$0x3F97]  }
0x1a: {  	s8 =	sadd.s32 $0xFFFFE003, lr  }
0x1b: {  	s9 =	sadd.s32 $0xFFFFFEF7, lr;
	s5 =	simm.s32 $0xFFFFFFFF;
	p2 =	slt.u32 s8, $0xFFFFF086  }
0x1c: {  	p1 =	slt.u32 s9, $0xF7A;
	s5 =	simm.s32 @!p2 $0x0  }
0x1d: {  	s5 =	simm.s32 @p1 $0x1;
	p0 =	seq.s32 s7, s2  }
0x1e: {  	s7 =	smul.u32 @!p0 $0xF7A, s2;
	p2 =	seq.s32 @!p0 s5, $0x0  }
0x1f: {  	s9 =	smul.u32 $0xF7A, s1;
	s8 =	simm.s32 @!p0 $0x1BF5;
	p2 =	por !p2, p0  }
0x20: {  	[sflag:s8] =	ssyncset.s32 @!p0 $0xFFFFF086;
	s6 =	sadd.s32 @!p0 s3, s7;
	s7 =	simm.s32 @!p0 $0x108  }
0x21: {  	s3 =	sadd.s32 s3, s9;
	s6 =	sadd.s32 @!p0 $0x88, s6;
	s7 =	simm.s32 @p2 $0x1082  }
0x22: {  	[simem:s7], [sflag:s8] =	dma.local @!p0 [hbm:s6], $0xF7A  }
0x23: {  	s9 =	sor.u32 $0xD0000000, s2;
	s6 =	simm.s32 $0x108;
	_ =	swait.ge @!p0 [sflag:s8], $0x0  }
0x24: {  	s3 =	sadd.s32 $0x88, s3;
	s6 =	simm.s32 @!p1 $0x1082;
	[sflag:s4] =	ssyncset.s32 $0xFFFFF086  }
0x25: {  	[simem:s6], [sflag:s4] =	dma.local [hbm:s3], $0xF7A  }
0x26: {  	[smem:$0x3F97] =	sst s1;
	(tag) =	ssettag s2;
	_ =	strace s9  }
0x27: {  	s1 =	sld [smem:$0x3FA7]  }
0x28: {  	s2 =	sld [smem:$0x3FA8]  }
0x29: {  	s4 =	sld [smem:$0x3FAA]  }
0x2a: {  	p0 =	seq.s32 s5, $0x0;
	s5 =	sld [smem:$0x3FAB]  }
0x2b: {  	s6 =	sld [smem:$0x3FAC]  }
0x2c: {  	s7 =	sld [smem:$0x3FAD]  }
0x2d: {  	s3 =	simm.s32 $0x108;
	s8 =	sld [smem:$0x3FAE]  }
0x2e: {  	s3 =	simm.s32 @!p0 $0x1082;
	s9 =	sld [smem:$0x3FAF]  }
0x2f: {  	lr =	sadd.s32 s0, s3;
	s0 =	sld [smem:$0x3FA6]  }
0x30: {  	s3 =	sld [smem:$0x3FA9]  }
0x31: {  	[smem:$0x3FB2] =	sst s10  }
0x32: {  	s10 =	sld [smem:$0x3FB0];
	_ =	sdelay $0x3  }
0x33: {  	p0 =	seq.s32 s10, $0x1;
	s10 =	sld [smem:$0x3FB2];
	_ =	sdelay $0x3  }
0x34: {  	[smem:$0x3FB2] =	sst s10  }
0x35: {  	s10 =	sld [smem:$0x3FB1];
	_ =	sdelay $0x3  }
0x36: {  	p1 =	seq.s32 s10, $0x1;
	s10 =	sld [smem:$0x3FB2];
	_ =	sdelay $0x3  }
0x37: {  	[smem:$0x3FB2] =	sst s10  }
0x38: {  	s10 =	sld [smem:$0x3FB3]  }
0x39: {  	_ = 	snop;
	(pc) =	sbr.ind lr, $3  }
0x3a: {  	_ = 	snop  }
0x3b: {  	_ = 	snop  }
0x3c: {  	p2 =	seq.s32 s10, $0x1;
	s10 =	sld [smem:$0x3FB2]  }
0x3d: {  	_ =	shalt  }
0x3e: {  	_ =	shalt  }
0x3f: {  	_ =	shalt  }
0x40: {  	_ =	shalt  }
0x41: {  	_ =	shalt  }
0x42: {  	_ =	shalt  }
0x43: {  	_ =	shalt  }
0x44: {  	_ =	shalt  }
0x45: {  	_ =	shalt  }
0x46: {  	_ =	shalt  }
0x47: {  	_ =	shalt  }
0x48: {  	_ =	shalt  }
0x49: {  	_ =	shalt  }
0x4a: {  	_ =	shalt  }
0x4b: {  	_ =	shalt  }
0x4c: {  	_ =	shalt  }
0x4d: {  	_ =	shalt  }
0x4e: {  	_ =	shalt  }
0x4f: {  	_ =	shalt  }
0x50: {  	_ =	shalt  }
0x51: {  	_ =	shalt  }
0x52: {  	_ =	shalt  }
0x53: {  	_ =	shalt  }
0x54: {  	_ =	shalt  }
0x55: {  	_ =	shalt  }
0x56: {  	_ =	shalt  }
0x57: {  	_ =	shalt  }
0x58: {  	_ =	shalt  }
0x59: {  	_ =	shalt  }
0x5a: {  	_ =	shalt  }
0x5b: {  	_ =	shalt  }
0x5c: {  	_ =	shalt  }
0x5d: {  	_ =	shalt  }
0x5e: {  	_ =	shalt  }
0x5f: {  	_ =	shalt  }
0x60: {  	_ =	shalt  }
0x61: {  	_ =	shalt  }
0x62: {  	_ =	shalt  }
0x63: {  	_ =	shalt  }
0x64: {  	_ =	shalt  }
0x65: {  	_ =	shalt  }
0x66: {  	_ =	shalt  }
0x67: {  	_ =	shalt  }
0x68: {  	_ =	shalt  }
0x69: {  	_ =	shalt  }
0x6a: {  	_ =	shalt  }
0x6b: {  	_ =	shalt  }
0x6c: {  	_ =	shalt  }
0x6d: {  	_ =	shalt  }
0x6e: {  	_ =	shalt  }
0x6f: {  	_ =	shalt  }
0x70: {  	_ =	shalt  }
0x71: {  	_ =	shalt  }
0x72: {  	_ =	shalt  }
0x73: {  	_ =	shalt  }
0x74: {  	_ =	shalt  }
0x75: {  	_ =	shalt  }
0x76: {  	_ =	shalt  }
0x77: {  	_ =	shalt  }
0x78: {  	_ =	shalt  }
0x79: {  	_ =	shalt  }
0x7a: {  	_ =	shalt  }
0x7b: {  	_ =	shalt  }
0x7c: {  	_ =	shalt  }
0x7d: {  	_ =	shalt  }
0x7e: {  	_ =	shalt  }
0x7f: {  	_ =	shalt  }
0x80: {  	_ =	shalt  }
0x81: {  	_ =	shalt  }
0x82: {  	_ =	shalt  }
0x83: {  	_ =	shalt  }
0x84: {  	_ =	shalt  }
0x85: {  	_ =	shalt  }
0x86: {  	_ =	shalt  }
0x87: {  	_ =	shalt  }
.Lfunc_end0:
.L_simem_size_0:
called_computation_lowered:
.L_overlay_start_0:
0x88: {  	s2 =	sld [smem:$0x3FD9]  }
0x89: {  	s3 =	sld [smem:$0x3FFE];
	_ =	sdelay $0x1  }
0x8a: {  	s1 =	srdreg.scid  }
0x8b: {  	s0 =	sand.u32 $0x1, s1  }
0x8c: {  	s17 =	sshll.u32 s0, $0xA;
	s2 =	sadd.s32 s3, s2  }
0x8d: {  	s2 =	sadd.s32 s2, s17  }
0x8e: {  	[smem:$0x3FBE] =	sst s2  }
0x8f: {  	_ = 	snop  }
0x90: {  	s2 =	sld [smem:$0x3FC8]  }
0x91: {  	s18 =	sld [smem:$0x3FD0];
	(tm) =	ssettm $0x1  }
0x92: {  	s4 =	sld [smem:$0x3FFB];
	_ =	sdelay $0x3  }
0x93: {  	_ =	strace s4  }
0x94: {  	s4 =	sld [smem:$0x3FFC];
	_ =	sdelay $0x3  }
0x95: {  	_ =	strace s4  }
0x96: {  	s4 =	sld [smem:$0x3FFD];
	_ =	sdelay $0x3  }
0x97: {  	_ =	strace s4  }
0x98: {  	_ =	strace $0x8FFFFFFF  }
0x99: {  	s19 =	sld [smem:$0x3FDB];
	_ =	sdelay $0x1  }
0x9a: {  	s5 =	simm.s32 $_scs_section_size  }
0x9b: {  	s6 =	simm.s32 $_size__tile_overlayer_lowered;
	s7 =	simm.s32 $_tile_overlayer_lowered  }
0x9c: {  	s22 =	simm.s32 $0x1BFF;
	s21 =	sshll.u32 s7, $0x1;
	s4 =	sadd.s32 s5, s19  }
0x9d: {  	s8 =	simm.s32 $0x0;
	s20 =	sshll.u32 s6, $0x1;
	s6 =	sadd.s32 s21, s4  }
0x9e: {  	[timem:s8], [sflag:s22] =	dma.local [hbm:s6], s20  }
0x9f: {  	_ =	swait.ge [sflag:s22], s20  }
0xa0: {  	s5 =	ssub.s32 $0x0, s20;
	[sflag:s22] =	ssyncset.done $0x0  }
0xa1: {  	[sflag:s22] =	ssyncadd.s32 s5;
	_ =	sdelay $0x1  }
0xa2: {  	s23 =	simm.s32 $0x1B8B  }
0xa3: {  	_ =	swait.ge [sflag:s23], $0x1  }
0xa4: {  	[sflag:s23] =	ssyncset.done $0x0  }
0xa5: {  	s25 =	simm.s32 $0x1B8E;
	s24 =	sld [smem:$0x3FFE];
	[sflag:s23] =	ssyncadd.s32 $0xFFFFFFFF  }
0xa6: {  	s26 =	simm.s32 $execute0_lowered;
	[smem:$0x3FD2] =	sst s25  }
0xa7: {  	s6 =	sshll.u32 s26, $0x1;
	_ =	strace $0x80000046;
	[dreg:$0x1] =	wrdreg $0xFFFFFFFF  }
0xa8: {  	s28 =	simm.s32 $_size_execute0_lowered;
	s4 =	sadd.s32 s4, s6;
	[dreg:$0x0] =	wrdreg $0x0  }
0xa9: {  	s6 =	sshll.u32 s28, $0x1;
	[dreg:$0x2] =	wrdreg s4  }
0xaa: {  	[dreg:$0x3] =	wrdreg s6  }
0xab: {  	[dreg:$0x4] =	wrdreg $0xC0  }
0xac: {  	_ =	task [dreg:s8], $0x5FFFF  }
0xad: {  	[dreg:$0x1] =	wrdreg $0xFFFFFFFF  }
0xae: {  	[dreg:$0x0] =	wrdreg $0x60  }
0xaf: {  	[dreg:$0x2] =	wrdreg s2  }
0xb0: {  	[dreg:$0x3] =	wrdreg s24  }
0xb1: {  	[dreg:$0x4] =	wrdreg s18  }
0xb2: {  	[dreg:$0x5] =	wrdreg $0x1A800  }
0xb3: {  	[dreg:$0x6] =	wrdreg $0x9  }
0xb4: {  	_ =	task.clear_ibuf [dreg:s8], $0x7FFFF;
	_ =	strace $0x90000046  }
0xb5: {  	s29 =	simm.s32 $0x9;
	_ =	strace $0x80000048  }
0xb6: {  	_ =	swait.ge [sflag:s29], $0x1  }
0xb7: {  	[sflag:s29] =	ssyncadd.s32 $0xFFFFFFFF  }
0xb8: {  	_ =	strace $0x90000048  }
0xb9: {  	_ =	sfence  }
0xba: {  	s30 =	sld [smem:$0x0];
	_ =	sdelay $0x2  }
0xbb: {  	s31 =	sshll.u32 s1, $0xD;
	s1 =	sshrl.u32 s1, $0x2  }
0xbc: {  	s3 =	sand.u32 $0x4000, s31;
	s1 =	sadd.s32 s1, s30  }
0xbd: {  	s0 =	sor.u32 s3, s0;
	s1 =	sshll.u32 s1, $0x11  }
0xbe: {  	s0 =	sor.u32 s1, s0  }
0xbf: {  	s0 =	sadd.s32 $0x8F2B, s0  }
0xc0: {  	[sflag:s0] =	ssyncadd.remote.s32 $0x1  }
0xc1: {  	_ =	sfence.sel $0xFFFF  }
0xc2: {  	[dreg:$0x0] =	wrdreg $0xFFFFFFFF;
	(pc) =	sbr.abs _section_cstart, $3  }
0xc3: {  	[dreg:$0x1] =	wrdreg $0xFFFFFFFF  }
0xc4: {  	_ =	task.clear_ibuf [dreg:s8], $0x2FFFF;
	_ =	strace $0x9FFFFFFF  }
0xc5: {  	(tm) =	ssettm $0x7FFFFFFF  }
tec
execute0_lowered:
.L_overlay_start_1:
0x0: {  	(tag) =	ssettag $0x1  }
0x1: {  	s4 =	rddreg [dreg:$0x0]  }
0x2: {  	s5 =	rddreg [dreg:$0x1]  }
0x3: {  	s0 =	srdreg.scid;
	s9 =	rddreg [dreg:$0x2]  }
0x4: {  	s10 =	stileid.u32;
	s1 =	rddreg [dreg:$0x3];
	s2 =	simm.s32 $0x0  }
0x5: {  	s12 =	simm.s32 $0x80;
	s3 =	sand.u32 $0x1, s0;
	s0 =	rddreg [dreg:$0x4]  }
0x6: {  	s13 =	simm.s32 $0x1A00;
	[smem:$0x7FF] =	sst s2;
	s8 =	sshll.u32 s3, $0x4  }
0x7: {  	p0 =	sne.s32 s10, $0x0;
	s11 =	ssub.s32 $0x2, s3;
	s14 =	sor.u32 s10, s8  }
0x8: {  	_ =	strace $0x80000047;
	s3 =	sadd.s32 $0x1600, s5;
	s6 =	smul.u32 $0x4E, s14  }
0x9: {  	s31 =	sshrl.u32 s11, $0x1;
	s8 =	sadd.s32 s9, s8;
	s7 =	smin.u32 s14, $0x4  }
0xa: {  	s10 =	sshrl.u32 @!p0 s1, $0x3;
	s11 =	ssub.s32 s11, s31;
	s30 =	sadd.s32 s7, s6  }
0xb: {  	p1 =	sgt.u32 s14, $0x3;
	s14 =	simm.s32 $0x0;
	s7 =	sshll.u32 s30, $0x5  }
0xc: {  	s9 =	smax.u32 s11, $0x1;
	s11 =	simm.s32 $0x1;
	s4 =	sadd.s32 s4, s7  }
0xd: {  	v0 =	vimm.f32 $1.000000000e+00;
	s5 =	sadd.s32 $0x340, s4;
	s6 =	sadd.s32 $0x680, s4;
	s7 =	sadd.s32 $0x9C0, s4  }
.LBB2_1:
0xe: {  	[tilespmem:$0x1A00] =	vst v0  }
0xf: {  	[tilespmem:$0x1A10] =	vst v0  }
0x10: {  	[tilespmem:$0x1A20] =	vst v0  }
0x11: {  	[tilespmem:$0x1A30] =	vst v0  }
0x12: {  	[tilespmem:$0x1A40] =	vst v0  }
0x13: {  	[tilespmem:$0x1A50] =	vst v0  }
0x14: {  	[tilespmem:$0x1A60] =	vst v0  }
0x15: {  	[tilespmem:$0x1A70] =	vst v0;
	s15 =	simm.s32 @!p0 $0x1C01  }
0x16: {  	[spmem:s10], [sflag:s15] =	dma.local @!p0 [hbm:s3], $0x4F0  }
0x17: {  	s15 =	simm.s32 @!p0 $0x1  }
0x18: {  	_ =	swait.ge @!p0 [sflag:s15], $0x4F0  }
0x19: {  	[sflag:s15] =	ssyncset.done @!p0 $0x0  }
0x1a: {  	[sflag:s15] =	ssyncadd.s32 @!p0 $0xFFFFFB10  }
0x1b: {  	[bflag:$0x0] =	sbarrier.arrive $0xFFFF  }
0x1c: {  	[tilespmem:s2], [sflag:$0x1] =	stream.linear.gather [hbm4b:s4+s2], $0x1A00, $0x38;
	[tilespmem:$0x1CF8] =	vst v63  }
0x1d: {  	_ =	swait.ge [sflag:s11], $0x1A00  }
0x1e: {  	[sflag:s11] =	ssyncset.done $0x0  }
0x1f: {  	s31 =	simm.s32 $0x80;
	[sflag:s11] =	ssyncadd.s32 $0xFFFFE600  }
0x20: {  	[spmem:s1] =	stream.indirect.scatter.add.f32 [tilespmem:s13], [sflag:$0x1], $0x1, s31, s12, $0xb8;
	[tilespmem:$0x1CF8] =	vst v63  }
0x21: {  	_ =	swait.ge [sflag:s11], $0x80  }
0x22: {  	s15 =	simm.s32 $0x600;
	[sflag:s11] =	ssyncset.done $0x0  }
.LBB2_2:
0x23: {  	s16 =	sshra.s32 s15, $0x2;
	[sflag:s11] =	ssyncadd.s32 $0xFFFFFF80;
	p2 =	sne.s32 s15, $0x6600  }
0x24: {  	[spmem:s1] =	stream.indirect.scatter.add.f32 [tilespmem:s13], [sflag:$0x1], $0x1, s16, s12, $0xb8;
	[tilespmem:$0x1CF8] =	vst v63  }
.Ltmp0:
0x25: {  	_ = 	snop;
	(pc) =	sbr.rel @p2 .LBB2_2-.Ltmp0, $4  }
0x26: {  	_ = 	snop  }
0x27: {  	s15 =	sadd.s32 $0x400, s15  }
0x28: {  	_ =	swait.ge [sflag:s11], $0x80  }
0x29: {  	[sflag:s11] =	ssyncset.done $0x0  }
0x2a: {  	[sflag:s11] =	ssyncadd.s32 $0xFFFFFF80  }
0x2b: {  	[tilespmem:s2], [sflag:$0x1] =	stream.linear.gather [hbm4b:s5+s2], $0x1A00, $0x38;
	[tilespmem:$0x1CF8] =	vst v63  }
0x2c: {  	_ =	swait.ge [sflag:s11], $0x1A00  }
0x2d: {  	[sflag:s11] =	ssyncset.done $0x0  }
0x2e: {  	s15 =	simm.s32 $0x80;
	[sflag:s11] =	ssyncadd.s32 $0xFFFFE600  }
0x2f: {  	[spmem:s1] =	stream.indirect.scatter.add.f32 [tilespmem:s13], [sflag:$0x1], $0x1, s15, s12, $0xb8;
	[tilespmem:$0x1CF8] =	vst v63  }
0x30: {  	_ =	swait.ge [sflag:s11], $0x80  }
0x31: {  	s15 =	simm.s32 $0x600;
	[sflag:s11] =	ssyncset.done $0x0  }
.LBB2_4:
0x32: {  	s16 =	sshra.s32 s15, $0x2;
	[sflag:s11] =	ssyncadd.s32 $0xFFFFFF80;
	p2 =	sne.s32 s15, $0x6600  }
0x33: {  	[spmem:s1] =	stream.indirect.scatter.add.f32 [tilespmem:s13], [sflag:$0x1], $0x1, s16, s12, $0xb8;
	[tilespmem:$0x1CF8] =	vst v63  }
.Ltmp1:
0x34: {  	_ = 	snop;
	(pc) =	sbr.rel @p2 .LBB2_4-.Ltmp1, $4  }
0x35: {  	_ = 	snop  }
0x36: {  	s15 =	sadd.s32 $0x400, s15  }
0x37: {  	_ =	swait.ge [sflag:s11], $0x80  }
0x38: {  	[sflag:s11] =	ssyncset.done $0x0  }
0x39: {  	[sflag:s11] =	ssyncadd.s32 $0xFFFFFF80  }
0x3a: {  	[tilespmem:s2], [sflag:$0x1] =	stream.linear.gather [hbm4b:s6+s2], $0x1A00, $0x38;
	[tilespmem:$0x1CF8] =	vst v63  }
0x3b: {  	_ =	swait.ge [sflag:s11], $0x1A00  }
0x3c: {  	[sflag:s11] =	ssyncset.done $0x0  }
0x3d: {  	s15 =	simm.s32 $0x80;
	[sflag:s11] =	ssyncadd.s32 $0xFFFFE600  }
0x3e: {  	[spmem:s1] =	stream.indirect.scatter.add.f32 [tilespmem:s13], [sflag:$0x1], $0x1, s15, s12, $0xb8;
	[tilespmem:$0x1CF8] =	vst v63  }
0x3f: {  	_ =	swait.ge [sflag:s11], $0x80  }
0x40: {  	s15 =	simm.s32 $0x600;
	[sflag:s11] =	ssyncset.done $0x0  }
.LBB2_6:
0x41: {  	s16 =	sshra.s32 s15, $0x2;
	[sflag:s11] =	ssyncadd.s32 $0xFFFFFF80;
	p2 =	sne.s32 s15, $0x6600  }
0x42: {  	[spmem:s1] =	stream.indirect.scatter.add.f32 [tilespmem:s13], [sflag:$0x1], $0x1, s16, s12, $0xb8;
	[tilespmem:$0x1CF8] =	vst v63  }
.Ltmp2:
0x43: {  	_ = 	snop;
	(pc) =	sbr.rel @p2 .LBB2_6-.Ltmp2, $4  }
0x44: {  	_ = 	snop  }
0x45: {  	s15 =	sadd.s32 $0x400, s15  }
0x46: {  	_ =	swait.ge [sflag:s11], $0x80  }
0x47: {  	[sflag:s11] =	ssyncset.done $0x0  }
0x48: {  	[sflag:s11] =	ssyncadd.s32 $0xFFFFFF80;
	s15 =	simm.s32 @!p1 $0x0  }
0x49: {  	[tilespmem:s15], [sflag:$0x1] =	stream.linear.gather @!p1 [hbm4b:s7+s15], $0x1A00, $0x38;
	[tilespmem:$0x1CF8] =	vst v63  }
0x4a: {  	s15 =	simm.s32 @!p1 $0x1  }
0x4b: {  	_ =	swait.ge @!p1 [sflag:s15], $0x1A00  }
0x4c: {  	[sflag:s15] =	ssyncset.done @!p1 $0x0  }
0x4d: {  	s16 =	simm.s32 @!p1 $0x80;
	s17 =	simm.s32 @!p1 $0x1A00;
	[sflag:s15] =	ssyncadd.s32 @!p1 $0xFFFFE600  }
0x4e: {  	[spmem:s1] =	stream.indirect.scatter.add.f32 @!p1 [tilespmem:s17], [sflag:$0x1], $0x1, s16, s16, $0xb8;
	[tilespmem:$0x1CF8] =	vst v63  }
0x4f: {  	s14 =	sadd.s32 $0x1, s14;
	_ =	swait.ge @!p1 [sflag:s15], $0x80  }
0x50: {  	s18 =	simm.s32 @!p0 $0x1C01;
	p2 =	sne.s32 s14, s9;
	[sflag:s15] =	ssyncset.done @!p1 $0x0  }
0x51: {  	s16 =	simm.s32 @!p0 $0x20;
	s17 =	simm.s32 @!p0 $0x10;
	[sflag:s15] =	ssyncadd.s32 @!p1 $0xFFFFFF80  }
.Ltmp3:
0x52: {  	s15 =	simm.s32 @!p0 $0x1;
	[bflag:$0x0] =	sbarrier.arrive $0xFFFF;
	(pc) =	sbr.rel @p2 .LBB2_1-.Ltmp3, $4  }
0x53: {  	[hbm:s8@s16], [sflag:s18] =	dma.strided @!p0 [spmem:s10@s17], $0x4F0, s15, $0x10   }
0x54: {  	_ =	swait.ge @!p0 [sflag:s15], $0x4F0  }
0x55: {  	[sflag:s15] =	ssyncset.done @!p0 $0x0  }
0x56: {  	[sflag:s15] =	ssyncadd.s32 @!p0 $0xFFFFFB10  }
0x57: {  	_ =	sfence.sel $0x180000  }
0x58: {  	[bflag:$0x0] =	sbarrier.arrive $0xFFFF  }
0x59: {  	_ =	strace $0x90000047  }
0x5a: {  	s0 =	sadd.s32 @!p0 $0x100000, s0;
	[bflag:$0x2] =	sbarrier.arrive $0xFFFF  }
0x5b: {  	[sflag:s0] =	ssyncadd.tile.s32 @!p0 $0x1;
	_ =	shalt  }
.Lfunc_end2:
_tile_overlayer_lowered:
.L_overlay_start_2:
0x5c: {  	(tag) =	ssettag $0x2  }
0x5d: {  	s0 =	rddreg [dreg:$0x0];
	s2 =	stileid.u32  }
0x5e: {  	s1 =	rddreg [dreg:$0x1];
	p0 =	sne.s32 s2, $0x0  }
0x5f: {  	s3 =	rddreg [dreg:$0x2];
	[bflag:$0x3] =	sbarrier.arrive $0xFFFF;
	s2 =	simm.s32 @!p0 $0x1C01  }
0x60: {  	[timem:s3], [sflag:s2] =	dma.local @!p0 [hbm:s0], s1  }
0x61: {  	s0 =	simm.s32 @!p0 $0x1  }
0x62: {  	_ =	swait.ge @!p0 [sflag:s0], s1  }
0x63: {  	s1 =	ssub.s32 @!p0 $0x0, s1;
	[sflag:s0] =	ssyncset.done @!p0 $0x0  }
0x64: {  	[sflag:s0] =	ssyncadd.s32 @!p0 s1  }
0x65: {  	[bflag:$0x3] =	sbarrier.arrive $0xFFFF  }
0x66: {  	_ =	shalt  }

</sc_bundles>
